<compile_context>
chip_gen: v7x
topology: tpu7x:2x2x1
jax: 0.10.2.dev20260603
libtpu: 0.0.44.dev20260713+nightly
codegen_flags: <defaults>
</compile_context>

<pallas_src>
import functools

import jax
import jax.numpy as jnp
from jax import lax
from jax.experimental import pallas as pl
from jax.experimental.pallas import tpu as pltpu
from jax.experimental.pallas import tpu_sc as plsc

E = 320000
D = 128
NH = 10000
NG = 500
NW = 32
EPT = E // NW
C = 80
NCHUNK = EPT // C
L = 16


def _fast_sqrt(v):
    xi = lax.bitcast_convert_type(v, jnp.int32)
    yi = jnp.int32(0x5F3759DF) - lax.shift_right_logical(xi, 1)
    y = lax.bitcast_convert_type(yi, jnp.float32)
    for _ in range(3):
        y = y * (jnp.float32(1.5) - jnp.float32(0.5) * v * y * y)
    return jnp.where(v > 0.0, v * y, jnp.float32(0.0))


def _make_sc_kernel():
    mesh = plsc.VectorSubcoreMesh(core_axis_name="c", subcore_axis_name="s")

    @functools.partial(
        pl.kernel,
        mesh=mesh,
        out_type=jax.ShapeDtypeStruct((E,), jnp.float32),
        compiler_params=pltpu.CompilerParams(needs_layout_passes=False),
        scratch_types=[
            pltpu.VMEM((NG, D), jnp.float32),
            pltpu.VMEM((2, C, D), jnp.float32),
            pltpu.VMEM((2, C, D), jnp.float32),
            pltpu.VMEM((2, C), jnp.int32),
            pltpu.VMEM((2, C), jnp.int32),
            pltpu.VMEM((2, C), jnp.int32),
            pltpu.VMEM((EPT,), jnp.float32),
            pltpu.SemaphoreType.DMA,
            pltpu.SemaphoreType.DMA,
            pltpu.SemaphoreType.DMA,
            pltpu.SemaphoreType.DMA,
            pltpu.SemaphoreType.DMA,
            pltpu.SemaphoreType.DMA,
        ],
    )
    def sc_kernel(h_hbm, g_hbm, row_hbm, col_hbm, et_hbm, out_hbm,
                  g_buf, r_buf, c_buf, ri_buf, ci_buf, t_buf, o_buf,
                  gsem0, gsem1, isem0, isem1, tsem0, tsem1):
        gsem = (gsem0, gsem1)
        isem = (isem0, isem1)
        tsem = (tsem0, tsem1)
        wid = lax.axis_index("s") * 2 + lax.axis_index("c")
        base = wid * EPT

        pltpu.sync_copy(g_hbm, g_buf)

        def start_gathers(b):
            pltpu.async_copy(h_hbm.at[ri_buf.at[b]], r_buf.at[b], gsem[b])
            pltpu.async_copy(h_hbm.at[ci_buf.at[b]], c_buf.at[b], gsem[b])

        for b in range(2):
            off = base + b * C
            pltpu.sync_copy(row_hbm.at[pl.ds(off, C)], ri_buf.at[b])
            pltpu.sync_copy(col_hbm.at[pl.ds(off, C)], ci_buf.at[b])
            pltpu.async_copy(et_hbm.at[pl.ds(off, C)], t_buf.at[b], tsem[b])
            start_gathers(b)

        def process(k, b):
            pltpu.make_async_copy(h_hbm.at[pl.ds(0, C)], r_buf.at[b], gsem[b]).wait()
            pltpu.make_async_copy(h_hbm.at[pl.ds(0, C)], c_buf.at[b], gsem[b]).wait()

            have_next = k + 2 < NCHUNK
            off2 = base + (k + 2) * C

            @pl.when(have_next)
            def _():
                pltpu.async_copy(row_hbm.at[pl.ds(off2, C)], ri_buf.at[b], isem[b])
                pltpu.async_copy(col_hbm.at[pl.ds(off2, C)], ci_buf.at[b], isem[b])

            pltpu.make_async_copy(et_hbm.at[pl.ds(0, C)], t_buf.at[b], tsem[b]).wait()

            koff = k * C

            ev = lax.iota(jnp.int32, L)
            bsplat = jnp.full((L,), b, jnp.int32)
            for q in range(C // L):
                esplat = ev + jnp.int32(q * L)
                tv = t_buf[b, pl.ds(q * L, L)]

                def d_body(d, acc):
                    dsplat = jnp.full((L,), d, jnp.int32)
                    rv = plsc.load_gather(r_buf, [bsplat, esplat, dsplat])
                    cv = plsc.load_gather(c_buf, [bsplat, esplat, dsplat])
                    gv = plsc.load_gather(g_buf, [tv, dsplat])
                    diff = rv * gv - cv
                    return acc + diff * diff

                acc = lax.fori_loop(0, 1, d_body,
                                    jnp.zeros((L,), jnp.float32), unroll=4)
                o_buf[pl.ds(koff + q * L, L)] = acc

            @pl.when(have_next)
            def _():
                pltpu.make_async_copy(row_hbm.at[pl.ds(0, C)], ri_buf.at[b], isem[b]).wait()
                pltpu.make_async_copy(col_hbm.at[pl.ds(0, C)], ci_buf.at[b], isem[b]).wait()
                start_gathers(b)
                pltpu.async_copy(et_hbm.at[pl.ds(off2, C)], t_buf.at[b], tsem[b])

        def pair_body(i, carry):
            process(2 * i, 0)
            process(2 * i + 1, 1)
            return carry

        lax.fori_loop(0, NCHUNK // 2, pair_body, 0)
        process(NCHUNK - 1, (NCHUNK - 1) % 2)

        def sqrt_body(i, carry):
            sl = pl.ds(i * L, L)
            o_buf[sl] = _fast_sqrt(o_buf[sl])
            return carry

        lax.fori_loop(0, EPT // L, sqrt_body, 0)

        pltpu.sync_copy(o_buf, out_hbm.at[pl.ds(base, EPT)])

    return sc_kernel


_SC_KERNEL = _make_sc_kernel()


@jax.jit
def kernel(h, g, edge_idx, edge_type):
    row = edge_idx[0].astype(jnp.int32)
    col = edge_idx[1].astype(jnp.int32)
    et = edge_type.astype(jnp.int32)
    return _SC_KERNEL(h, g, row, col, et)

# --- scband reference (transcript-rebuilt; emitter-appended) ---
"""Pipeline reference for scband-mod-e-65369402245831 (READ-ONLY COPY).

The authoritative reference and input builder live on the scoring server;
editing this copy changes nothing except your own understanding.
"""

import jax, jax.numpy as jnp
import numpy as np


def setup_inputs(seed: int = 0) -> dict:
    key = jax.random.key(seed)
    k1, k2, k3, k4 = jax.random.split(key, 4)
    h = jax.random.normal(k1, (10000, 128), dtype=jnp.float32)
    g = jax.random.normal(k2, (500, 128), dtype=jnp.float32)
    edge_idx = jax.random.randint(k3, (2, 320000), 0, 10000, dtype=jnp.int64) if jax.config.jax_enable_x64 else jax.random.randint(k3, (2, 320000), 0, 10000).astype(jnp.int32)
    edge_type = jax.random.randint(k4, (320000,), 0, 500, dtype=jnp.int64) if jax.config.jax_enable_x64 else jax.random.randint(k4, (320000,), 0, 500).astype(jnp.int32)
    return {"h": h, "g": g, "edge_idx": edge_idx, "edge_type": edge_type}


def reference(h, g, edge_idx, edge_type):
    # ModE dissimilarity: d(h_row * g_rel, h_col) using L2 norm.
    row = edge_idx[0]
    col = edge_idx[1]
    h_row = jnp.take(h, row, axis=0)          # gather [E, d]
    h_col = jnp.take(h, col, axis=0)          # gather [E, d]
    g_rel = jnp.take(g, edge_type, axis=0)    # gather [E, d]
    diff = h_row * g_rel - h_col
    d_norm = jnp.sqrt(jnp.sum(diff * diff, axis=-1))
    return d_norm

if __name__ == "__main__":
    import jax
    _d = setup_inputs()
    print(jax.jit(kernel)(*tuple(_d.values())))

</pallas_src>

<mosaic_0001>
#map = affine_map<(d0, d1) -> (0, 0)>
#map1 = affine_map<(d0, d1) -> (0)>
module attributes {stable_mosaic.version = 14 : i64} {
  func.func @sc_kernel(%arg0: i32, %arg1: i32, %arg2: memref<10000x128xf32, #tpu.memory_space<hbm>>, %arg3: memref<500x128xf32, #tpu.memory_space<hbm>>, %arg4: memref<320000xi32, #tpu.memory_space<hbm>>, %arg5: memref<320000xi32, #tpu.memory_space<hbm>>, %arg6: memref<320000xi32, #tpu.memory_space<hbm>>, %arg7: memref<320000xf32, #tpu.memory_space<hbm>>, %arg8: memref<500x128xf32, #tpu.memory_space<vmem>>, %arg9: memref<2x80x128xf32, #tpu.memory_space<vmem>>, %arg10: memref<2x80x128xf32, #tpu.memory_space<vmem>>, %arg11: memref<2x80xi32, #tpu.memory_space<vmem>>, %arg12: memref<2x80xi32, #tpu.memory_space<vmem>>, %arg13: memref<2x80xi32, #tpu.memory_space<vmem>>, %arg14: memref<10000xf32, #tpu.memory_space<vmem>>, %arg15: memref<!tpu.dma_semaphore, #tpu.memory_space<semaphore_mem>>, %arg16: memref<!tpu.dma_semaphore, #tpu.memory_space<semaphore_mem>>, %arg17: memref<!tpu.dma_semaphore, #tpu.memory_space<semaphore_mem>>, %arg18: memref<!tpu.dma_semaphore, #tpu.memory_space<semaphore_mem>>, %arg19: memref<!tpu.dma_semaphore, #tpu.memory_space<semaphore_mem>>, %arg20: memref<!tpu.dma_semaphore, #tpu.memory_space<semaphore_mem>>) attributes {dimension_semantics = [#tpu.dimension_semantics<core_parallel>, #tpu.dimension_semantics<subcore_parallel>], iteration_bounds = array<i64: 2, 16>, scalar_prefetch = 0 : i64, scratch_operands = 13 : i64, tpu.core_type = #tpu.core_type<sc_vector_subcore>, window_params = [{transform_indices = #map}, {transform_indices = #map}, {transform_indices = #map1}, {transform_indices = #map1}, {transform_indices = #map1}, {transform_indices = #map1}]} {
    %mul3A = arith.constant 2 : i32
    %mul3A_0 = arith.muli %arg1, %mul3A : i32
    %add3A = arith.addi %mul3A_0, %arg0 : i32
    %mul3A_1 = arith.constant 10000 : i32
    %mul3A_2 = arith.muli %add3A, %mul3A_1 : i32
    "tpu.region"() ({
      %run_scoped3A_250 = tpu.sem_alloc : memref<!tpu.dma_semaphore, #tpu.memory_space<semaphore_mem>>
      tpu.enqueue_dma source(%arg3 : memref<500x128xf32, #tpu.memory_space<hbm>>) target(%arg8 : memref<500x128xf32, #tpu.memory_space<vmem>>) target_semaphore(%run_scoped3A_250 : memref<!tpu.dma_semaphore, #tpu.memory_space<semaphore_mem>>)
      tpu.wait_dma2 semaphore(%run_scoped3A_250 : memref<!tpu.dma_semaphore, #tpu.memory_space<semaphore_mem>>) src(%arg3 : memref<500x128xf32, #tpu.memory_space<hbm>>) dst(%arg8 : memref<500x128xf32, #tpu.memory_space<vmem>>)
      tpu.yield
    }) : () -> ()
    %add3A_3 = arith.constant 0 : i32
    %add3A_4 = arith.addi %mul3A_2, %add3A_3 : i32
    %run_scoped3A = arith.constant 0 : i32
    "tpu.region"() ({
      %run_scoped3A_250 = tpu.sem_alloc : memref<!tpu.dma_semaphore, #tpu.memory_space<semaphore_mem>>
      %dma_start3A_251 = arith.constant 0 : i32
      %dma_start3A_252 = tpu.memref_slice %arg11[%run_scoped3A, %dma_start3A_251] : memref<2x80xi32, #tpu.memory_space<vmem>> -> memref<1x80xi32, #tpu.memory_space<vmem>>
      %dma_start3A_253 = tpu.memref_squeeze %dma_start3A_252 : memref<1x80xi32, #tpu.memory_space<vmem>> -> memref<80xi32, #tpu.memory_space<vmem>>
      %dma_start3A_254 = tpu.memref_slice %arg4[%add3A_4] : memref<320000xi32, #tpu.memory_space<hbm>> -> memref<80xi32, #tpu.memory_space<hbm>>
      %dma_start3A_255 = arith.constant 0 : i32
      %dma_start3A_256 = tpu.memref_slice %arg11[%run_scoped3A, %dma_start3A_255] : memref<2x80xi32, #tpu.memory_space<vmem>> -> memref<1x80xi32, #tpu.memory_space<vmem>>
      %dma_start3A_257 = tpu.memref_squeeze %dma_start3A_256 : memref<1x80xi32, #tpu.memory_space<vmem>> -> memref<80xi32, #tpu.memory_space<vmem>>
      %dma_start3A_258 = tpu.memref_slice %arg4[%add3A_4] : memref<320000xi32, #tpu.memory_space<hbm>> -> memref<80xi32, #tpu.memory_space<hbm>>
      tpu.enqueue_dma source(%dma_start3A_258 : memref<80xi32, #tpu.memory_space<hbm>>) target(%dma_start3A_257 : memref<80xi32, #tpu.memory_space<vmem>>) target_semaphore(%run_scoped3A_250 : memref<!tpu.dma_semaphore, #tpu.memory_space<semaphore_mem>>)
      %dma_wait3A_259 = arith.constant 0 : i32
      %dma_wait3A_260 = tpu.memref_slice %arg11[%run_scoped3A, %dma_wait3A_259] : memref<2x80xi32, #tpu.memory_space<vmem>> -> memref<1x80xi32, #tpu.memory_space<vmem>>
      %dma_wait3A_261 = tpu.memref_squeeze %dma_wait3A_260 : memref<1x80xi32, #tpu.memory_space<vmem>> -> memref<80xi32, #tpu.memory_space<vmem>>
      %dma_wait3A_262 = tpu.memref_slice %arg4[%add3A_4] : memref<320000xi32, #tpu.memory_space<hbm>> -> memref<80xi32, #tpu.memory_space<hbm>>
      %dma_wait3A_263 = arith.constant 0 : i32
      %dma_wait3A_264 = tpu.memref_slice %arg11[%run_scoped3A, %dma_wait3A_263] : memref<2x80xi32, #tpu.memory_space<vmem>> -> memref<1x80xi32, #tpu.memory_space<vmem>>
      %dma_wait3A_265 = tpu.memref_squeeze %dma_wait3A_264 : memref<1x80xi32, #tpu.memory_space<vmem>> -> memref<80xi32, #tpu.memory_space<vmem>>
      %dma_wait3A_266 = tpu.memref_slice %arg4[%add3A_4] : memref<320000xi32, #tpu.memory_space<hbm>> -> memref<80xi32, #tpu.memory_space<hbm>>
      tpu.wait_dma2 semaphore(%run_scoped3A_250 : memref<!tpu.dma_semaphore, #tpu.memory_space<semaphore_mem>>) src(%dma_wait3A_266 : memref<80xi32, #tpu.memory_space<hbm>>) dst(%dma_wait3A_265 : memref<80xi32, #tpu.memory_space<vmem>>)
      tpu.yield
    }) : () -> ()
    %run_scoped3A_5 = arith.constant 0 : i32
    "tpu.region"() ({
      %run_scoped3A_250 = tpu.sem_alloc : memref<!tpu.dma_semaphore, #tpu.memory_space<semaphore_mem>>
      %dma_start3A_251 = arith.constant 0 : i32
      %dma_start3A_252 = tpu.memref_slice %arg12[%run_scoped3A_5, %dma_start3A_251] : memref<2x80xi32, #tpu.memory_space<vmem>> -> memref<1x80xi32, #tpu.memory_space<vmem>>
      %dma_start3A_253 = tpu.memref_squeeze %dma_start3A_252 : memref<1x80xi32, #tpu.memory_space<vmem>> -> memref<80xi32, #tpu.memory_space<vmem>>
      %dma_start3A_254 = tpu.memref_slice %arg5[%add3A_4] : memref<320000xi32, #tpu.memory_space<hbm>> -> memref<80xi32, #tpu.memory_space<hbm>>
      %dma_start3A_255 = arith.constant 0 : i32
      %dma_start3A_256 = tpu.memref_slice %arg12[%run_scoped3A_5, %dma_start3A_255] : memref<2x80xi32, #tpu.memory_space<vmem>> -> memref<1x80xi32, #tpu.memory_space<vmem>>
      %dma_start3A_257 = tpu.memref_squeeze %dma_start3A_256 : memref<1x80xi32, #tpu.memory_space<vmem>> -> memref<80xi32, #tpu.memory_space<vmem>>
      %dma_start3A_258 = tpu.memref_slice %arg5[%add3A_4] : memref<320000xi32, #tpu.memory_space<hbm>> -> memref<80xi32, #tpu.memory_space<hbm>>
      tpu.enqueue_dma source(%dma_start3A_258 : memref<80xi32, #tpu.memory_space<hbm>>) target(%dma_start3A_257 : memref<80xi32, #tpu.memory_space<vmem>>) target_semaphore(%run_scoped3A_250 : memref<!tpu.dma_semaphore, #tpu.memory_space<semaphore_mem>>)
      %dma_wait3A_259 = arith.constant 0 : i32
      %dma_wait3A_260 = tpu.memref_slice %arg12[%run_scoped3A_5, %dma_wait3A_259] : memref<2x80xi32, #tpu.memory_space<vmem>> -> memref<1x80xi32, #tpu.memory_space<vmem>>
      %dma_wait3A_261 = tpu.memref_squeeze %dma_wait3A_260 : memref<1x80xi32, #tpu.memory_space<vmem>> -> memref<80xi32, #tpu.memory_space<vmem>>
      %dma_wait3A_262 = tpu.memref_slice %arg5[%add3A_4] : memref<320000xi32, #tpu.memory_space<hbm>> -> memref<80xi32, #tpu.memory_space<hbm>>
      %dma_wait3A_263 = arith.constant 0 : i32
      %dma_wait3A_264 = tpu.memref_slice %arg12[%run_scoped3A_5, %dma_wait3A_263] : memref<2x80xi32, #tpu.memory_space<vmem>> -> memref<1x80xi32, #tpu.memory_space<vmem>>
      %dma_wait3A_265 = tpu.memref_squeeze %dma_wait3A_264 : memref<1x80xi32, #tpu.memory_space<vmem>> -> memref<80xi32, #tpu.memory_space<vmem>>
      %dma_wait3A_266 = tpu.memref_slice %arg5[%add3A_4] : memref<320000xi32, #tpu.memory_space<hbm>> -> memref<80xi32, #tpu.memory_space<hbm>>
      tpu.wait_dma2 semaphore(%run_scoped3A_250 : memref<!tpu.dma_semaphore, #tpu.memory_space<semaphore_mem>>) src(%dma_wait3A_266 : memref<80xi32, #tpu.memory_space<hbm>>) dst(%dma_wait3A_265 : memref<80xi32, #tpu.memory_space<vmem>>)
      tpu.yield
    }) : () -> ()
    %dma_start3A = arith.constant 0 : i32
    %dma_start3A_6 = arith.constant 0 : i32
    %dma_start3A_7 = tpu.memref_slice %arg13[%dma_start3A, %dma_start3A_6] : memref<2x80xi32, #tpu.memory_space<vmem>> -> memref<1x80xi32, #tpu.memory_space<vmem>>
    %dma_start3A_8 = tpu.memref_squeeze %dma_start3A_7 : memref<1x80xi32, #tpu.memory_space<vmem>> -> memref<80xi32, #tpu.memory_space<vmem>>
    %dma_start3A_9 = tpu.memref_slice %arg6[%add3A_4] : memref<320000xi32, #tpu.memory_space<hbm>> -> memref<80xi32, #tpu.memory_space<hbm>>
    %dma_start3A_10 = arith.constant 0 : i32
    %dma_start3A_11 = tpu.memref_slice %arg13[%dma_start3A, %dma_start3A_10] : memref<2x80xi32, #tpu.memory_space<vmem>> -> memref<1x80xi32, #tpu.memory_space<vmem>>
    %dma_start3A_12 = tpu.memref_squeeze %dma_start3A_11 : memref<1x80xi32, #tpu.memory_space<vmem>> -> memref<80xi32, #tpu.memory_space<vmem>>
    %dma_start3A_13 = tpu.memref_slice %arg6[%add3A_4] : memref<320000xi32, #tpu.memory_space<hbm>> -> memref<80xi32, #tpu.memory_space<hbm>>
    tpu.enqueue_dma source(%dma_start3A_13 : memref<80xi32, #tpu.memory_space<hbm>>) target(%dma_start3A_12 : memref<80xi32, #tpu.memory_space<vmem>>) target_semaphore(%arg19 : memref<!tpu.dma_semaphore, #tpu.memory_space<semaphore_mem>>)
    %dma_start3A_14 = arith.constant 0 : i32
    %dma_start3A_15 = arith.constant 0 : i32
    %dma_start3A_16 = arith.constant 0 : i32
    %dma_start3A_17 = arith.constant 0 : i32
    %dma_start3A_18 = tpu.memref_slice %arg9[%dma_start3A_15, %dma_start3A_16, %dma_start3A_17] : memref<2x80x128xf32, #tpu.memory_space<vmem>> -> memref<1x80x128xf32, #tpu.memory_space<vmem>>
    %dma_start3A_19 = tpu.memref_squeeze %dma_start3A_18 : memref<1x80x128xf32, #tpu.memory_space<vmem>> -> memref<80x128xf32, #tpu.memory_space<vmem>>
    %dma_start3A_20 = arith.constant 0 : i32
    %dma_start3A_21 = tpu.memref_slice %arg11[%dma_start3A_14, %dma_start3A_20] : memref<2x80xi32, #tpu.memory_space<vmem>> -> memref<1x80xi32, #tpu.memory_space<vmem>>
    %dma_start3A_22 = tpu.memref_squeeze %dma_start3A_21 : memref<1x80xi32, #tpu.memory_space<vmem>> -> memref<80xi32, #tpu.memory_space<vmem>>
    %dma_start3A_23 = arith.constant 0 : i32
    %dma_start3A_24 = arith.constant 0 : i32
    %dma_start3A_25 = tpu.memref_slice %arg2[%dma_start3A_23, %dma_start3A_24] : memref<10000x128xf32, #tpu.memory_space<hbm>> -> memref<10000x128xf32, #tpu.memory_space<hbm>>
    tpu.enqueue_indirect_dma source(%dma_start3A_25 : memref<10000x128xf32, #tpu.memory_space<hbm>>) target(%dma_start3A_19 : memref<80x128xf32, #tpu.memory_space<vmem>>) offsets(%dma_start3A_22 : memref<80xi32, #tpu.memory_space<vmem>>) semaphore(%arg15 : memref<!tpu.dma_semaphore, #tpu.memory_space<semaphore_mem>>)
    %dma_start3A_26 = arith.constant 0 : i32
    %dma_start3A_27 = arith.constant 0 : i32
    %dma_start3A_28 = arith.constant 0 : i32
    %dma_start3A_29 = arith.constant 0 : i32
    %dma_start3A_30 = tpu.memref_slice %arg10[%dma_start3A_27, %dma_start3A_28, %dma_start3A_29] : memref<2x80x128xf32, #tpu.memory_space<vmem>> -> memref<1x80x128xf32, #tpu.memory_space<vmem>>
    %dma_start3A_31 = tpu.memref_squeeze %dma_start3A_30 : memref<1x80x128xf32, #tpu.memory_space<vmem>> -> memref<80x128xf32, #tpu.memory_space<vmem>>
    %dma_start3A_32 = arith.constant 0 : i32
    %dma_start3A_33 = tpu.memref_slice %arg12[%dma_start3A_26, %dma_start3A_32] : memref<2x80xi32, #tpu.memory_space<vmem>> -> memref<1x80xi32, #tpu.memory_space<vmem>>
    %dma_start3A_34 = tpu.memref_squeeze %dma_start3A_33 : memref<1x80xi32, #tpu.memory_space<vmem>> -> memref<80xi32, #tpu.memory_space<vmem>>
    %dma_start3A_35 = arith.constant 0 : i32
    %dma_start3A_36 = arith.constant 0 : i32
    %dma_start3A_37 = tpu.memref_slice %arg2[%dma_start3A_35, %dma_start3A_36] : memref<10000x128xf32, #tpu.memory_space<hbm>> -> memref<10000x128xf32, #tpu.memory_space<hbm>>
    tpu.enqueue_indirect_dma source(%dma_start3A_37 : memref<10000x128xf32, #tpu.memory_space<hbm>>) target(%dma_start3A_31 : memref<80x128xf32, #tpu.memory_space<vmem>>) offsets(%dma_start3A_34 : memref<80xi32, #tpu.memory_space<vmem>>) semaphore(%arg15 : memref<!tpu.dma_semaphore, #tpu.memory_space<semaphore_mem>>)
    %add3A_38 = arith.constant 80 : i32
    %add3A_39 = arith.addi %mul3A_2, %add3A_38 : i32
    %run_scoped3A_40 = arith.constant 1 : i32
    "tpu.region"() ({
      %run_scoped3A_250 = tpu.sem_alloc : memref<!tpu.dma_semaphore, #tpu.memory_space<semaphore_mem>>
      %dma_start3A_251 = arith.constant 0 : i32
      %dma_start3A_252 = tpu.memref_slice %arg11[%run_scoped3A_40, %dma_start3A_251] : memref<2x80xi32, #tpu.memory_space<vmem>> -> memref<1x80xi32, #tpu.memory_space<vmem>>
      %dma_start3A_253 = tpu.memref_squeeze %dma_start3A_252 : memref<1x80xi32, #tpu.memory_space<vmem>> -> memref<80xi32, #tpu.memory_space<vmem>>
      %dma_start3A_254 = tpu.memref_slice %arg4[%add3A_39] : memref<320000xi32, #tpu.memory_space<hbm>> -> memref<80xi32, #tpu.memory_space<hbm>>
      %dma_start3A_255 = arith.constant 0 : i32
      %dma_start3A_256 = tpu.memref_slice %arg11[%run_scoped3A_40, %dma_start3A_255] : memref<2x80xi32, #tpu.memory_space<vmem>> -> memref<1x80xi32, #tpu.memory_space<vmem>>
      %dma_start3A_257 = tpu.memref_squeeze %dma_start3A_256 : memref<1x80xi32, #tpu.memory_space<vmem>> -> memref<80xi32, #tpu.memory_space<vmem>>
      %dma_start3A_258 = tpu.memref_slice %arg4[%add3A_39] : memref<320000xi32, #tpu.memory_space<hbm>> -> memref<80xi32, #tpu.memory_space<hbm>>
      tpu.enqueue_dma source(%dma_start3A_258 : memref<80xi32, #tpu.memory_space<hbm>>) target(%dma_start3A_257 : memref<80xi32, #tpu.memory_space<vmem>>) target_semaphore(%run_scoped3A_250 : memref<!tpu.dma_semaphore, #tpu.memory_space<semaphore_mem>>)
      %dma_wait3A_259 = arith.constant 0 : i32
      %dma_wait3A_260 = tpu.memref_slice %arg11[%run_scoped3A_40, %dma_wait3A_259] : memref<2x80xi32, #tpu.memory_space<vmem>> -> memref<1x80xi32, #tpu.memory_space<vmem>>
      %dma_wait3A_261 = tpu.memref_squeeze %dma_wait3A_260 : memref<1x80xi32, #tpu.memory_space<vmem>> -> memref<80xi32, #tpu.memory_space<vmem>>
      %dma_wait3A_262 = tpu.memref_slice %arg4[%add3A_39] : memref<320000xi32, #tpu.memory_space<hbm>> -> memref<80xi32, #tpu.memory_space<hbm>>
      %dma_wait3A_263 = arith.constant 0 : i32
      %dma_wait3A_264 = tpu.memref_slice %arg11[%run_scoped3A_40, %dma_wait3A_263] : memref<2x80xi32, #tpu.memory_space<vmem>> -> memref<1x80xi32, #tpu.memory_space<vmem>>
      %dma_wait3A_265 = tpu.memref_squeeze %dma_wait3A_264 : memref<1x80xi32, #tpu.memory_space<vmem>> -> memref<80xi32, #tpu.memory_space<vmem>>
      %dma_wait3A_266 = tpu.memref_slice %arg4[%add3A_39] : memref<320000xi32, #tpu.memory_space<hbm>> -> memref<80xi32, #tpu.memory_space<hbm>>
      tpu.wait_dma2 semaphore(%run_scoped3A_250 : memref<!tpu.dma_semaphore, #tpu.memory_space<semaphore_mem>>) src(%dma_wait3A_266 : memref<80xi32, #tpu.memory_space<hbm>>) dst(%dma_wait3A_265 : memref<80xi32, #tpu.memory_space<vmem>>)
      tpu.yield
    }) : () -> ()
    %run_scoped3A_41 = arith.constant 1 : i32
    "tpu.region"() ({
      %run_scoped3A_250 = tpu.sem_alloc : memref<!tpu.dma_semaphore, #tpu.memory_space<semaphore_mem>>
      %dma_start3A_251 = arith.constant 0 : i32
      %dma_start3A_252 = tpu.memref_slice %arg12[%run_scoped3A_41, %dma_start3A_251] : memref<2x80xi32, #tpu.memory_space<vmem>> -> memref<1x80xi32, #tpu.memory_space<vmem>>
      %dma_start3A_253 = tpu.memref_squeeze %dma_start3A_252 : memref<1x80xi32, #tpu.memory_space<vmem>> -> memref<80xi32, #tpu.memory_space<vmem>>
      %dma_start3A_254 = tpu.memref_slice %arg5[%add3A_39] : memref<320000xi32, #tpu.memory_space<hbm>> -> memref<80xi32, #tpu.memory_space<hbm>>
      %dma_start3A_255 = arith.constant 0 : i32
      %dma_start3A_256 = tpu.memref_slice %arg12[%run_scoped3A_41, %dma_start3A_255] : memref<2x80xi32, #tpu.memory_space<vmem>> -> memref<1x80xi32, #tpu.memory_space<vmem>>
      %dma_start3A_257 = tpu.memref_squeeze %dma_start3A_256 : memref<1x80xi32, #tpu.memory_space<vmem>> -> memref<80xi32, #tpu.memory_space<vmem>>
      %dma_start3A_258 = tpu.memref_slice %arg5[%add3A_39] : memref<320000xi32, #tpu.memory_space<hbm>> -> memref<80xi32, #tpu.memory_space<hbm>>
      tpu.enqueue_dma source(%dma_start3A_258 : memref<80xi32, #tpu.memory_space<hbm>>) target(%dma_start3A_257 : memref<80xi32, #tpu.memory_space<vmem>>) target_semaphore(%run_scoped3A_250 : memref<!tpu.dma_semaphore, #tpu.memory_space<semaphore_mem>>)
      %dma_wait3A_259 = arith.constant 0 : i32
      %dma_wait3A_260 = tpu.memref_slice %arg12[%run_scoped3A_41, %dma_wait3A_259] : memref<2x80xi32, #tpu.memory_space<vmem>> -> memref<1x80xi32, #tpu.memory_space<vmem>>
      %dma_wait3A_261 = tpu.memref_squeeze %dma_wait3A_260 : memref<1x80xi32, #tpu.memory_space<vmem>> -> memref<80xi32, #tpu.memory_space<vmem>>
      %dma_wait3A_262 = tpu.memref_slice %arg5[%add3A_39] : memref<320000xi32, #tpu.memory_space<hbm>> -> memref<80xi32, #tpu.memory_space<hbm>>
      %dma_wait3A_263 = arith.constant 0 : i32
      %dma_wait3A_264 = tpu.memref_slice %arg12[%run_scoped3A_41, %dma_wait3A_263] : memref<2x80xi32, #tpu.memory_space<vmem>> -> memref<1x80xi32, #tpu.memory_space<vmem>>
      %dma_wait3A_265 = tpu.memref_squeeze %dma_wait3A_264 : memref<1x80xi32, #tpu.memory_space<vmem>> -> memref<80xi32, #tpu.memory_space<vmem>>
      %dma_wait3A_266 = tpu.memref_slice %arg5[%add3A_39] : memref<320000xi32, #tpu.memory_space<hbm>> -> memref<80xi32, #tpu.memory_space<hbm>>
      tpu.wait_dma2 semaphore(%run_scoped3A_250 : memref<!tpu.dma_semaphore, #tpu.memory_space<semaphore_mem>>) src(%dma_wait3A_266 : memref<80xi32, #tpu.memory_space<hbm>>) dst(%dma_wait3A_265 : memref<80xi32, #tpu.memory_space<vmem>>)
      tpu.yield
    }) : () -> ()
    %dma_start3A_42 = arith.constant 1 : i32
    %dma_start3A_43 = arith.constant 0 : i32
    %dma_start3A_44 = tpu.memref_slice %arg13[%dma_start3A_42, %dma_start3A_43] : memref<2x80xi32, #tpu.memory_space<vmem>> -> memref<1x80xi32, #tpu.memory_space<vmem>>
    %dma_start3A_45 = tpu.memref_squeeze %dma_start3A_44 : memref<1x80xi32, #tpu.memory_space<vmem>> -> memref<80xi32, #tpu.memory_space<vmem>>
    %dma_start3A_46 = tpu.memref_slice %arg6[%add3A_39] : memref<320000xi32, #tpu.memory_space<hbm>> -> memref<80xi32, #tpu.memory_space<hbm>>
    %dma_start3A_47 = arith.constant 0 : i32
    %dma_start3A_48 = tpu.memref_slice %arg13[%dma_start3A_42, %dma_start3A_47] : memref<2x80xi32, #tpu.memory_space<vmem>> -> memref<1x80xi32, #tpu.memory_space<vmem>>
    %dma_start3A_49 = tpu.memref_squeeze %dma_start3A_48 : memref<1x80xi32, #tpu.memory_space<vmem>> -> memref<80xi32, #tpu.memory_space<vmem>>
    %dma_start3A_50 = tpu.memref_slice %arg6[%add3A_39] : memref<320000xi32, #tpu.memory_space<hbm>> -> memref<80xi32, #tpu.memory_space<hbm>>
    tpu.enqueue_dma source(%dma_start3A_50 : memref<80xi32, #tpu.memory_space<hbm>>) target(%dma_start3A_49 : memref<80xi32, #tpu.memory_space<vmem>>) target_semaphore(%arg20 : memref<!tpu.dma_semaphore, #tpu.memory_space<semaphore_mem>>)
    %dma_start3A_51 = arith.constant 1 : i32
    %dma_start3A_52 = arith.constant 1 : i32
    %dma_start3A_53 = arith.constant 0 : i32
    %dma_start3A_54 = arith.constant 0 : i32
    %dma_start3A_55 = tpu.memref_slice %arg9[%dma_start3A_52, %dma_start3A_53, %dma_start3A_54] : memref<2x80x128xf32, #tpu.memory_space<vmem>> -> memref<1x80x128xf32, #tpu.memory_space<vmem>>
    %dma_start3A_56 = tpu.memref_squeeze %dma_start3A_55 : memref<1x80x128xf32, #tpu.memory_space<vmem>> -> memref<80x128xf32, #tpu.memory_space<vmem>>
    %dma_start3A_57 = arith.constant 0 : i32
    %dma_start3A_58 = tpu.memref_slice %arg11[%dma_start3A_51, %dma_start3A_57] : memref<2x80xi32, #tpu.memory_space<vmem>> -> memref<1x80xi32, #tpu.memory_space<vmem>>
    %dma_start3A_59 = tpu.memref_squeeze %dma_start3A_58 : memref<1x80xi32, #tpu.memory_space<vmem>> -> memref<80xi32, #tpu.memory_space<vmem>>
    %dma_start3A_60 = arith.constant 0 : i32
    %dma_start3A_61 = arith.constant 0 : i32
    %dma_start3A_62 = tpu.memref_slice %arg2[%dma_start3A_60, %dma_start3A_61] : memref<10000x128xf32, #tpu.memory_space<hbm>> -> memref<10000x128xf32, #tpu.memory_space<hbm>>
    tpu.enqueue_indirect_dma source(%dma_start3A_62 : memref<10000x128xf32, #tpu.memory_space<hbm>>) target(%dma_start3A_56 : memref<80x128xf32, #tpu.memory_space<vmem>>) offsets(%dma_start3A_59 : memref<80xi32, #tpu.memory_space<vmem>>) semaphore(%arg16 : memref<!tpu.dma_semaphore, #tpu.memory_space<semaphore_mem>>)
    %dma_start3A_63 = arith.constant 1 : i32
    %dma_start3A_64 = arith.constant 1 : i32
    %dma_start3A_65 = arith.constant 0 : i32
    %dma_start3A_66 = arith.constant 0 : i32
    %dma_start3A_67 = tpu.memref_slice %arg10[%dma_start3A_64, %dma_start3A_65, %dma_start3A_66] : memref<2x80x128xf32, #tpu.memory_space<vmem>> -> memref<1x80x128xf32, #tpu.memory_space<vmem>>
    %dma_start3A_68 = tpu.memref_squeeze %dma_start3A_67 : memref<1x80x128xf32, #tpu.memory_space<vmem>> -> memref<80x128xf32, #tpu.memory_space<vmem>>
    %dma_start3A_69 = arith.constant 0 : i32
    %dma_start3A_70 = tpu.memref_slice %arg12[%dma_start3A_63, %dma_start3A_69] : memref<2x80xi32, #tpu.memory_space<vmem>> -> memref<1x80xi32, #tpu.memory_space<vmem>>
    %dma_start3A_71 = tpu.memref_squeeze %dma_start3A_70 : memref<1x80xi32, #tpu.memory_space<vmem>> -> memref<80xi32, #tpu.memory_space<vmem>>
    %dma_start3A_72 = arith.constant 0 : i32
    %dma_start3A_73 = arith.constant 0 : i32
    %dma_start3A_74 = tpu.memref_slice %arg2[%dma_start3A_72, %dma_start3A_73] : memref<10000x128xf32, #tpu.memory_space<hbm>> -> memref<10000x128xf32, #tpu.memory_space<hbm>>
    tpu.enqueue_indirect_dma source(%dma_start3A_74 : memref<10000x128xf32, #tpu.memory_space<hbm>>) target(%dma_start3A_68 : memref<80x128xf32, #tpu.memory_space<vmem>>) offsets(%dma_start3A_71 : memref<80xi32, #tpu.memory_space<vmem>>) semaphore(%arg16 : memref<!tpu.dma_semaphore, #tpu.memory_space<semaphore_mem>>)
    %scan3A = arith.constant 0 : i32
    %scan3A_75 = arith.constant 0 : i32
    %scan3A_76 = arith.constant 62 : i32
    %scan3A_77 = arith.addi %scan3A_75, %scan3A_76 : i32
    %scan3A_78 = arith.constant 1 : i32
    scf.for %scan3A_250 = %scan3A_75 to %scan3A_77 step %scan3A_78  : i32 {
      %mul3A_251 = arith.constant 2 : i32
      %mul3A_252 = arith.muli %mul3A_251, %scan3A_250 : i32
      %dma_wait3A_253 = arith.constant 0 : i32
      %dma_wait3A_254 = arith.constant 0 : i32
      %dma_wait3A_255 = arith.constant 0 : i32
      %dma_wait3A_256 = tpu.memref_slice %arg9[%dma_wait3A_253, %dma_wait3A_254, %dma_wait3A_255] : memref<2x80x128xf32, #tpu.memory_space<vmem>> -> memref<1x80x128xf32, #tpu.memory_space<vmem>>
      %dma_wait3A_257 = tpu.memref_squeeze %dma_wait3A_256 : memref<1x80x128xf32, #tpu.memory_space<vmem>> -> memref<80x128xf32, #tpu.memory_space<vmem>>
      %dma_wait3A_258 = arith.constant 0 : i32
      %dma_wait3A_259 = arith.constant 0 : i32
      %dma_wait3A_260 = tpu.memref_slice %arg2[%dma_wait3A_258, %dma_wait3A_259] : memref<10000x128xf32, #tpu.memory_space<hbm>> -> memref<80x128xf32, #tpu.memory_space<hbm>>
      %dma_wait3A_261 = arith.constant 0 : i32
      %dma_wait3A_262 = arith.constant 0 : i32
      %dma_wait3A_263 = tpu.memref_slice %arg9[%dma_wait3A_253, %dma_wait3A_261, %dma_wait3A_262] : memref<2x80x128xf32, #tpu.memory_space<vmem>> -> memref<1x80x128xf32, #tpu.memory_space<vmem>>
      %dma_wait3A_264 = tpu.memref_squeeze %dma_wait3A_263 : memref<1x80x128xf32, #tpu.memory_space<vmem>> -> memref<80x128xf32, #tpu.memory_space<vmem>>
      %dma_wait3A_265 = arith.constant 0 : i32
      %dma_wait3A_266 = arith.constant 0 : i32
      %dma_wait3A_267 = tpu.memref_slice %arg2[%dma_wait3A_265, %dma_wait3A_266] : memref<10000x128xf32, #tpu.memory_space<hbm>> -> memref<80x128xf32, #tpu.memory_space<hbm>>
      tpu.wait_dma2 semaphore(%arg15 : memref<!tpu.dma_semaphore, #tpu.memory_space<semaphore_mem>>) src(%dma_wait3A_267 : memref<80x128xf32, #tpu.memory_space<hbm>>) dst(%dma_wait3A_264 : memref<80x128xf32, #tpu.memory_space<vmem>>)
      %dma_wait3A_268 = arith.constant 0 : i32
      %dma_wait3A_269 = arith.constant 0 : i32
      %dma_wait3A_270 = arith.constant 0 : i32
      %dma_wait3A_271 = tpu.memref_slice %arg10[%dma_wait3A_268, %dma_wait3A_269, %dma_wait3A_270] : memref<2x80x128xf32, #tpu.memory_space<vmem>> -> memref<1x80x128xf32, #tpu.memory_space<vmem>>
      %dma_wait3A_272 = tpu.memref_squeeze %dma_wait3A_271 : memref<1x80x128xf32, #tpu.memory_space<vmem>> -> memref<80x128xf32, #tpu.memory_space<vmem>>
      %dma_wait3A_273 = arith.constant 0 : i32
      %dma_wait3A_274 = arith.constant 0 : i32
      %dma_wait3A_275 = tpu.memref_slice %arg2[%dma_wait3A_273, %dma_wait3A_274] : memref<10000x128xf32, #tpu.memory_space<hbm>> -> memref<80x128xf32, #tpu.memory_space<hbm>>
      %dma_wait3A_276 = arith.constant 0 : i32
      %dma_wait3A_277 = arith.constant 0 : i32
      %dma_wait3A_278 = tpu.memref_slice %arg10[%dma_wait3A_268, %dma_wait3A_276, %dma_wait3A_277] : memref<2x80x128xf32, #tpu.memory_space<vmem>> -> memref<1x80x128xf32, #tpu.memory_space<vmem>>
      %dma_wait3A_279 = tpu.memref_squeeze %dma_wait3A_278 : memref<1x80x128xf32, #tpu.memory_space<vmem>> -> memref<80x128xf32, #tpu.memory_space<vmem>>
      %dma_wait3A_280 = arith.constant 0 : i32
      %dma_wait3A_281 = arith.constant 0 : i32
      %dma_wait3A_282 = tpu.memref_slice %arg2[%dma_wait3A_280, %dma_wait3A_281] : memref<10000x128xf32, #tpu.memory_space<hbm>> -> memref<80x128xf32, #tpu.memory_space<hbm>>
      tpu.wait_dma2 semaphore(%arg15 : memref<!tpu.dma_semaphore, #tpu.memory_space<semaphore_mem>>) src(%dma_wait3A_282 : memref<80x128xf32, #tpu.memory_space<hbm>>) dst(%dma_wait3A_279 : memref<80x128xf32, #tpu.memory_space<vmem>>)
      %add3A_283 = arith.constant 2 : i32
      %add3A_284 = arith.addi %mul3A_252, %add3A_283 : i32
      %lt3A = arith.constant 125 : i32
      %lt3A_285 = arith.cmpi slt, %add3A_284, %lt3A : i32
      %add3A_286 = arith.constant 2 : i32
      %add3A_287 = arith.addi %mul3A_252, %add3A_286 : i32
      %mul3A_288 = arith.constant 80 : i32
      %mul3A_289 = arith.muli %add3A_287, %mul3A_288 : i32
      %add3A_290 = arith.addi %mul3A_2, %mul3A_289 : i32
      %convert_element_type3A = arith.extui %lt3A_285 : i1 to i32
      %cond3A = arith.constant 0 : i32
      %cond3A_291 = arith.cmpi ne, %convert_element_type3A, %cond3A : i32
      scf.if %cond3A_291 {
        %dma_start3A_646 = arith.constant 0 : i32
        %dma_start3A_647 = arith.constant 0 : i32
        %dma_start3A_648 = tpu.memref_slice %arg11[%dma_start3A_646, %dma_start3A_647] : memref<2x80xi32, #tpu.memory_space<vmem>> -> memref<1x80xi32, #tpu.memory_space<vmem>>
        %dma_start3A_649 = tpu.memref_squeeze %dma_start3A_648 : memref<1x80xi32, #tpu.memory_space<vmem>> -> memref<80xi32, #tpu.memory_space<vmem>>
        %dma_start3A_650 = tpu.memref_slice %arg4[%add3A_290] : memref<320000xi32, #tpu.memory_space<hbm>> -> memref<80xi32, #tpu.memory_space<hbm>>
        %dma_start3A_651 = arith.constant 0 : i32
        %dma_start3A_652 = tpu.memref_slice %arg11[%dma_start3A_646, %dma_start3A_651] : memref<2x80xi32, #tpu.memory_space<vmem>> -> memref<1x80xi32, #tpu.memory_space<vmem>>
        %dma_start3A_653 = tpu.memref_squeeze %dma_start3A_652 : memref<1x80xi32, #tpu.memory_space<vmem>> -> memref<80xi32, #tpu.memory_space<vmem>>
        %dma_start3A_654 = tpu.memref_slice %arg4[%add3A_290] : memref<320000xi32, #tpu.memory_space<hbm>> -> memref<80xi32, #tpu.memory_space<hbm>>
        tpu.enqueue_dma source(%dma_start3A_654 : memref<80xi32, #tpu.memory_space<hbm>>) target(%dma_start3A_653 : memref<80xi32, #tpu.memory_space<vmem>>) target_semaphore(%arg17 : memref<!tpu.dma_semaphore, #tpu.memory_space<semaphore_mem>>)
        %dma_start3A_655 = arith.constant 0 : i32
        %dma_start3A_656 = arith.constant 0 : i32
        %dma_start3A_657 = tpu.memref_slice %arg12[%dma_start3A_655, %dma_start3A_656] : memref<2x80xi32, #tpu.memory_space<vmem>> -> memref<1x80xi32, #tpu.memory_space<vmem>>
        %dma_start3A_658 = tpu.memref_squeeze %dma_start3A_657 : memref<1x80xi32, #tpu.memory_space<vmem>> -> memref<80xi32, #tpu.memory_space<vmem>>
        %dma_start3A_659 = tpu.memref_slice %arg5[%add3A_290] : memref<320000xi32, #tpu.memory_space<hbm>> -> memref<80xi32, #tpu.memory_space<hbm>>
        %dma_start3A_660 = arith.constant 0 : i32
        %dma_start3A_661 = tpu.memref_slice %arg12[%dma_start3A_655, %dma_start3A_660] : memref<2x80xi32, #tpu.memory_space<vmem>> -> memref<1x80xi32, #tpu.memory_space<vmem>>
        %dma_start3A_662 = tpu.memref_squeeze %dma_start3A_661 : memref<1x80xi32, #tpu.memory_space<vmem>> -> memref<80xi32, #tpu.memory_space<vmem>>
        %dma_start3A_663 = tpu.memref_slice %arg5[%add3A_290] : memref<320000xi32, #tpu.memory_space<hbm>> -> memref<80xi32, #tpu.memory_space<hbm>>
        tpu.enqueue_dma source(%dma_start3A_663 : memref<80xi32, #tpu.memory_space<hbm>>) target(%dma_start3A_662 : memref<80xi32, #tpu.memory_space<vmem>>) target_semaphore(%arg17 : memref<!tpu.dma_semaphore, #tpu.memory_space<semaphore_mem>>)
      } else {
      }
      %dma_wait3A_292 = arith.constant 0 : i32
      %dma_wait3A_293 = arith.constant 0 : i32
      %dma_wait3A_294 = tpu.memref_slice %arg13[%dma_wait3A_292, %dma_wait3A_293] : memref<2x80xi32, #tpu.memory_space<vmem>> -> memref<1x80xi32, #tpu.memory_space<vmem>>
      %dma_wait3A_295 = tpu.memref_squeeze %dma_wait3A_294 : memref<1x80xi32, #tpu.memory_space<vmem>> -> memref<80xi32, #tpu.memory_space<vmem>>
      %dma_wait3A_296 = arith.constant 0 : i32
      %dma_wait3A_297 = tpu.memref_slice %arg6[%dma_wait3A_296] : memref<320000xi32, #tpu.memory_space<hbm>> -> memref<80xi32, #tpu.memory_space<hbm>>
      %dma_wait3A_298 = arith.constant 0 : i32
      %dma_wait3A_299 = tpu.memref_slice %arg13[%dma_wait3A_292, %dma_wait3A_298] : memref<2x80xi32, #tpu.memory_space<vmem>> -> memref<1x80xi32, #tpu.memory_space<vmem>>
      %dma_wait3A_300 = tpu.memref_squeeze %dma_wait3A_299 : memref<1x80xi32, #tpu.memory_space<vmem>> -> memref<80xi32, #tpu.memory_space<vmem>>
      %dma_wait3A_301 = arith.constant 0 : i32
      %dma_wait3A_302 = tpu.memref_slice %arg6[%dma_wait3A_301] : memref<320000xi32, #tpu.memory_space<hbm>> -> memref<80xi32, #tpu.memory_space<hbm>>
      tpu.wait_dma2 semaphore(%arg19 : memref<!tpu.dma_semaphore, #tpu.memory_space<semaphore_mem>>) src(%dma_wait3A_302 : memref<80xi32, #tpu.memory_space<hbm>>) dst(%dma_wait3A_300 : memref<80xi32, #tpu.memory_space<vmem>>)
      %mul3A_303 = arith.constant 80 : i32
      %mul3A_304 = arith.muli %mul3A_252, %mul3A_303 : i32
      %iota3A_305 = tpu.iota {dimensions = array<i32: 0>} : vector<16xi32>
      %broadcast_in_dim3A_306 = arith.constant 0 : i32
      %broadcast_in_dim3A_307 = vector.broadcast %broadcast_in_dim3A_306 : i32 to vector<16xi32>
      %add3A_308 = arith.constant 0 : i32
      %add3A_309 = vector.broadcast %add3A_308 : i32 to vector<16xi32>
      %add3A_310 = arith.addi %iota3A_305, %add3A_309 : vector<16xi32>
      %get3A_311 = arith.constant 0 : i32
      %get3A_312 = arith.index_cast %get3A_311 : i32 to index
      %get3A_313 = arith.constant 0 : index
      %get3A_314 = tpu.vector_load %arg13[%get3A_312, %get3A_313] {strides = array<i32>} : memref<2x80xi32, #tpu.memory_space<vmem>>, vector<16xi32>,
      %broadcast_in_dim3A_315 = arith.constant 0.000000e+00 : f32
      %broadcast_in_dim3A_316 = vector.broadcast %broadcast_in_dim3A_315 : f32 to vector<16xf32>
      %scan3A_317 = arith.constant 0 : i32
      %scan3A_318 = arith.constant 0 : i32
      %scan3A_319 = arith.addi %scan3A_317, %scan3A_318 : i32
      %scan3A_320 = arith.constant 0 : i32
      %scan3A_321 = arith.addi %scan3A_317, %scan3A_320 : i32
      %broadcast_in_dim3A_322 = vector.broadcast %scan3A_321 : i32 to vector<16xi32>
      %gather3A_323 = tpu.vector_load_idx %arg9[%broadcast_in_dim3A_307, %add3A_310, %broadcast_in_dim3A_322] : memref<2x80x128xf32, #tpu.memory_space<vmem>>[vector<16xi32>, vector<16xi32>, vector<16xi32>], vector<16xf32>,
      %gather3A_324 = tpu.vector_load_idx %arg10[%broadcast_in_dim3A_307, %add3A_310, %broadcast_in_dim3A_322] : memref<2x80x128xf32, #tpu.memory_space<vmem>>[vector<16xi32>, vector<16xi32>, vector<16xi32>], vector<16xf32>,
      %gather3A_325 = tpu.vector_load_idx %arg8[%get3A_314, %broadcast_in_dim3A_322] : memref<500x128xf32, #tpu.memory_space<vmem>>[vector<16xi32>, vector<16xi32>], vector<16xf32>,
      %mul3A_326 = arith.mulf %gather3A_323, %gather3A_325 : vector<16xf32>
      %sub3A_327 = arith.subf %mul3A_326, %gather3A_324 : vector<16xf32>
      %mul3A_328 = arith.mulf %sub3A_327, %sub3A_327 : vector<16xf32>
      %add3A_329 = arith.addf %broadcast_in_dim3A_316, %mul3A_328 : vector<16xf32>
      %scan3A_330 = arith.constant 1 : i32
      %add3A_331 = arith.constant 0 : i32
      %add3A_332 = arith.addi %mul3A_304, %add3A_331 : i32
      %swap3A_333 = arith.index_cast %add3A_332 : i32 to index
      %swap3A_334 = tpu.vector_load %arg14[%swap3A_333] {strides = array<i32>} : memref<10000xf32, #tpu.memory_space<vmem>>, vector<16xf32>,
      tpu.vector_store %arg14[%swap3A_333], %add3A_329 {strides = array<i32>} : memref<10000xf32, #tpu.memory_space<vmem>>, vector<16xf32>,
      %add3A_335 = arith.constant 16 : i32
      %add3A_336 = vector.broadcast %add3A_335 : i32 to vector<16xi32>
      %add3A_337 = arith.addi %iota3A_305, %add3A_336 : vector<16xi32>
      %get3A_338 = arith.constant 0 : i32
      %get3A_339 = arith.index_cast %get3A_338 : i32 to index
      %get3A_340 = arith.constant 16 : index
      %get3A_341 = tpu.vector_load %arg13[%get3A_339, %get3A_340] {strides = array<i32>} : memref<2x80xi32, #tpu.memory_space<vmem>>, vector<16xi32>,
      %broadcast_in_dim3A_342 = arith.constant 0.000000e+00 : f32
      %broadcast_in_dim3A_343 = vector.broadcast %broadcast_in_dim3A_342 : f32 to vector<16xf32>
      %scan3A_344 = arith.constant 0 : i32
      %scan3A_345 = arith.constant 0 : i32
      %scan3A_346 = arith.addi %scan3A_344, %scan3A_345 : i32
      %scan3A_347 = arith.constant 0 : i32
      %scan3A_348 = arith.addi %scan3A_344, %scan3A_347 : i32
      %broadcast_in_dim3A_349 = vector.broadcast %scan3A_348 : i32 to vector<16xi32>
      %gather3A_350 = tpu.vector_load_idx %arg9[%broadcast_in_dim3A_307, %add3A_337, %broadcast_in_dim3A_349] : memref<2x80x128xf32, #tpu.memory_space<vmem>>[vector<16xi32>, vector<16xi32>, vector<16xi32>], vector<16xf32>,
      %gather3A_351 = tpu.vector_load_idx %arg10[%broadcast_in_dim3A_307, %add3A_337, %broadcast_in_dim3A_349] : memref<2x80x128xf32, #tpu.memory_space<vmem>>[vector<16xi32>, vector<16xi32>, vector<16xi32>], vector<16xf32>,
      %gather3A_352 = tpu.vector_load_idx %arg8[%get3A_341, %broadcast_in_dim3A_349] : memref<500x128xf32, #tpu.memory_space<vmem>>[vector<16xi32>, vector<16xi32>], vector<16xf32>,
      %mul3A_353 = arith.mulf %gather3A_350, %gather3A_352 : vector<16xf32>
      %sub3A_354 = arith.subf %mul3A_353, %gather3A_351 : vector<16xf32>
      %mul3A_355 = arith.mulf %sub3A_354, %sub3A_354 : vector<16xf32>
      %add3A_356 = arith.addf %broadcast_in_dim3A_343, %mul3A_355 : vector<16xf32>
      %scan3A_357 = arith.constant 1 : i32
      %add3A_358 = arith.constant 16 : i32
      %add3A_359 = arith.addi %mul3A_304, %add3A_358 : i32
      %swap3A_360 = arith.index_cast %add3A_359 : i32 to index
      %swap3A_361 = tpu.vector_load %arg14[%swap3A_360] {strides = array<i32>} : memref<10000xf32, #tpu.memory_space<vmem>>, vector<16xf32>,
      tpu.vector_store %arg14[%swap3A_360], %add3A_356 {strides = array<i32>} : memref<10000xf32, #tpu.memory_space<vmem>>, vector<16xf32>,
      %add3A_362 = arith.constant 32 : i32
      %add3A_363 = vector.broadcast %add3A_362 : i32 to vector<16xi32>
      %add3A_364 = arith.addi %iota3A_305, %add3A_363 : vector<16xi32>
      %get3A_365 = arith.constant 0 : i32
      %get3A_366 = arith.index_cast %get3A_365 : i32 to index
      %get3A_367 = arith.constant 32 : index
      %get3A_368 = tpu.vector_load %arg13[%get3A_366, %get3A_367] {strides = array<i32>} : memref<2x80xi32, #tpu.memory_space<vmem>>, vector<16xi32>,
      %broadcast_in_dim3A_369 = arith.constant 0.000000e+00 : f32
      %broadcast_in_dim3A_370 = vector.broadcast %broadcast_in_dim3A_369 : f32 to vector<16xf32>
      %scan3A_371 = arith.constant 0 : i32
      %scan3A_372 = arith.constant 0 : i32
      %scan3A_373 = arith.addi %scan3A_371, %scan3A_372 : i32
      %scan3A_374 = arith.constant 0 : i32
      %scan3A_375 = arith.addi %scan3A_371, %scan3A_374 : i32
      %broadcast_in_dim3A_376 = vector.broadcast %scan3A_375 : i32 to vector<16xi32>
      %gather3A_377 = tpu.vector_load_idx %arg9[%broadcast_in_dim3A_307, %add3A_364, %broadcast_in_dim3A_376] : memref<2x80x128xf32, #tpu.memory_space<vmem>>[vector<16xi32>, vector<16xi32>, vector<16xi32>], vector<16xf32>,
      %gather3A_378 = tpu.vector_load_idx %arg10[%broadcast_in_dim3A_307, %add3A_364, %broadcast_in_dim3A_376] : memref<2x80x128xf32, #tpu.memory_space<vmem>>[vector<16xi32>, vector<16xi32>, vector<16xi32>], vector<16xf32>,
      %gather3A_379 = tpu.vector_load_idx %arg8[%get3A_368, %broadcast_in_dim3A_376] : memref<500x128xf32, #tpu.memory_space<vmem>>[vector<16xi32>, vector<16xi32>], vector<16xf32>,
      %mul3A_380 = arith.mulf %gather3A_377, %gather3A_379 : vector<16xf32>
      %sub3A_381 = arith.subf %mul3A_380, %gather3A_378 : vector<16xf32>
      %mul3A_382 = arith.mulf %sub3A_381, %sub3A_381 : vector<16xf32>
      %add3A_383 = arith.addf %broadcast_in_dim3A_370, %mul3A_382 : vector<16xf32>
      %scan3A_384 = arith.constant 1 : i32
      %add3A_385 = arith.constant 32 : i32
      %add3A_386 = arith.addi %mul3A_304, %add3A_385 : i32
      %swap3A_387 = arith.index_cast %add3A_386 : i32 to index
      %swap3A_388 = tpu.vector_load %arg14[%swap3A_387] {strides = array<i32>} : memref<10000xf32, #tpu.memory_space<vmem>>, vector<16xf32>,
      tpu.vector_store %arg14[%swap3A_387], %add3A_383 {strides = array<i32>} : memref<10000xf32, #tpu.memory_space<vmem>>, vector<16xf32>,
      %add3A_389 = arith.constant 48 : i32
      %add3A_390 = vector.broadcast %add3A_389 : i32 to vector<16xi32>
      %add3A_391 = arith.addi %iota3A_305, %add3A_390 : vector<16xi32>
      %get3A_392 = arith.constant 0 : i32
      %get3A_393 = arith.index_cast %get3A_392 : i32 to index
      %get3A_394 = arith.constant 48 : index
      %get3A_395 = tpu.vector_load %arg13[%get3A_393, %get3A_394] {strides = array<i32>} : memref<2x80xi32, #tpu.memory_space<vmem>>, vector<16xi32>,
      %broadcast_in_dim3A_396 = arith.constant 0.000000e+00 : f32
      %broadcast_in_dim3A_397 = vector.broadcast %broadcast_in_dim3A_396 : f32 to vector<16xf32>
      %scan3A_398 = arith.constant 0 : i32
      %scan3A_399 = arith.constant 0 : i32
      %scan3A_400 = arith.addi %scan3A_398, %scan3A_399 : i32
      %scan3A_401 = arith.constant 0 : i32
      %scan3A_402 = arith.addi %scan3A_398, %scan3A_401 : i32
      %broadcast_in_dim3A_403 = vector.broadcast %scan3A_402 : i32 to vector<16xi32>
      %gather3A_404 = tpu.vector_load_idx %arg9[%broadcast_in_dim3A_307, %add3A_391, %broadcast_in_dim3A_403] : memref<2x80x128xf32, #tpu.memory_space<vmem>>[vector<16xi32>, vector<16xi32>, vector<16xi32>], vector<16xf32>,
      %gather3A_405 = tpu.vector_load_idx %arg10[%broadcast_in_dim3A_307, %add3A_391, %broadcast_in_dim3A_403] : memref<2x80x128xf32, #tpu.memory_space<vmem>>[vector<16xi32>, vector<16xi32>, vector<16xi32>], vector<16xf32>,
      %gather3A_406 = tpu.vector_load_idx %arg8[%get3A_395, %broadcast_in_dim3A_403] : memref<500x128xf32, #tpu.memory_space<vmem>>[vector<16xi32>, vector<16xi32>], vector<16xf32>,
      %mul3A_407 = arith.mulf %gather3A_404, %gather3A_406 : vector<16xf32>
      %sub3A_408 = arith.subf %mul3A_407, %gather3A_405 : vector<16xf32>
      %mul3A_409 = arith.mulf %sub3A_408, %sub3A_408 : vector<16xf32>
      %add3A_410 = arith.addf %broadcast_in_dim3A_397, %mul3A_409 : vector<16xf32>
      %scan3A_411 = arith.constant 1 : i32
      %add3A_412 = arith.constant 48 : i32
      %add3A_413 = arith.addi %mul3A_304, %add3A_412 : i32
      %swap3A_414 = arith.index_cast %add3A_413 : i32 to index
      %swap3A_415 = tpu.vector_load %arg14[%swap3A_414] {strides = array<i32>} : memref<10000xf32, #tpu.memory_space<vmem>>, vector<16xf32>,
      tpu.vector_store %arg14[%swap3A_414], %add3A_410 {strides = array<i32>} : memref<10000xf32, #tpu.memory_space<vmem>>, vector<16xf32>,
      %add3A_416 = arith.constant 64 : i32
      %add3A_417 = vector.broadcast %add3A_416 : i32 to vector<16xi32>
      %add3A_418 = arith.addi %iota3A_305, %add3A_417 : vector<16xi32>
      %get3A_419 = arith.constant 0 : i32
      %get3A_420 = arith.index_cast %get3A_419 : i32 to index
      %get3A_421 = arith.constant 64 : index
      %get3A_422 = tpu.vector_load %arg13[%get3A_420, %get3A_421] {strides = array<i32>} : memref<2x80xi32, #tpu.memory_space<vmem>>, vector<16xi32>,
      %broadcast_in_dim3A_423 = arith.constant 0.000000e+00 : f32
      %broadcast_in_dim3A_424 = vector.broadcast %broadcast_in_dim3A_423 : f32 to vector<16xf32>
      %scan3A_425 = arith.constant 0 : i32
      %scan3A_426 = arith.constant 0 : i32
      %scan3A_427 = arith.addi %scan3A_425, %scan3A_426 : i32
      %scan3A_428 = arith.constant 0 : i32
      %scan3A_429 = arith.addi %scan3A_425, %scan3A_428 : i32
      %broadcast_in_dim3A_430 = vector.broadcast %scan3A_429 : i32 to vector<16xi32>
      %gather3A_431 = tpu.vector_load_idx %arg9[%broadcast_in_dim3A_307, %add3A_418, %broadcast_in_dim3A_430] : memref<2x80x128xf32, #tpu.memory_space<vmem>>[vector<16xi32>, vector<16xi32>, vector<16xi32>], vector<16xf32>,
      %gather3A_432 = tpu.vector_load_idx %arg10[%broadcast_in_dim3A_307, %add3A_418, %broadcast_in_dim3A_430] : memref<2x80x128xf32, #tpu.memory_space<vmem>>[vector<16xi32>, vector<16xi32>, vector<16xi32>], vector<16xf32>,
      %gather3A_433 = tpu.vector_load_idx %arg8[%get3A_422, %broadcast_in_dim3A_430] : memref<500x128xf32, #tpu.memory_space<vmem>>[vector<16xi32>, vector<16xi32>], vector<16xf32>,
      %mul3A_434 = arith.mulf %gather3A_431, %gather3A_433 : vector<16xf32>
      %sub3A_435 = arith.subf %mul3A_434, %gather3A_432 : vector<16xf32>
      %mul3A_436 = arith.mulf %sub3A_435, %sub3A_435 : vector<16xf32>
      %add3A_437 = arith.addf %broadcast_in_dim3A_424, %mul3A_436 : vector<16xf32>
      %scan3A_438 = arith.constant 1 : i32
      %add3A_439 = arith.constant 64 : i32
      %add3A_440 = arith.addi %mul3A_304, %add3A_439 : i32
      %swap3A_441 = arith.index_cast %add3A_440 : i32 to index
      %swap3A_442 = tpu.vector_load %arg14[%swap3A_441] {strides = array<i32>} : memref<10000xf32, #tpu.memory_space<vmem>>, vector<16xf32>,
      tpu.vector_store %arg14[%swap3A_441], %add3A_437 {strides = array<i32>} : memref<10000xf32, #tpu.memory_space<vmem>>, vector<16xf32>,
      %convert_element_type3A_443 = arith.extui %lt3A_285 : i1 to i32
      %cond3A_444 = arith.constant 0 : i32
      %cond3A_445 = arith.cmpi ne, %convert_element_type3A_443, %cond3A_444 : i32
      scf.if %cond3A_445 {
        %dma_wait3A_646 = arith.constant 0 : i32
        %dma_wait3A_647 = arith.constant 0 : i32
        %dma_wait3A_648 = tpu.memref_slice %arg11[%dma_wait3A_646, %dma_wait3A_647] : memref<2x80xi32, #tpu.memory_space<vmem>> -> memref<1x80xi32, #tpu.memory_space<vmem>>
        %dma_wait3A_649 = tpu.memref_squeeze %dma_wait3A_648 : memref<1x80xi32, #tpu.memory_space<vmem>> -> memref<80xi32, #tpu.memory_space<vmem>>
        %dma_wait3A_650 = arith.constant 0 : i32
        %dma_wait3A_651 = tpu.memref_slice %arg4[%dma_wait3A_650] : memref<320000xi32, #tpu.memory_space<hbm>> -> memref<80xi32, #tpu.memory_space<hbm>>
        %dma_wait3A_652 = arith.constant 0 : i32
        %dma_wait3A_653 = tpu.memref_slice %arg11[%dma_wait3A_646, %dma_wait3A_652] : memref<2x80xi32, #tpu.memory_space<vmem>> -> memref<1x80xi32, #tpu.memory_space<vmem>>
        %dma_wait3A_654 = tpu.memref_squeeze %dma_wait3A_653 : memref<1x80xi32, #tpu.memory_space<vmem>> -> memref<80xi32, #tpu.memory_space<vmem>>
        %dma_wait3A_655 = arith.constant 0 : i32
        %dma_wait3A_656 = tpu.memref_slice %arg4[%dma_wait3A_655] : memref<320000xi32, #tpu.memory_space<hbm>> -> memref<80xi32, #tpu.memory_space<hbm>>
        tpu.wait_dma2 semaphore(%arg17 : memref<!tpu.dma_semaphore, #tpu.memory_space<semaphore_mem>>) src(%dma_wait3A_656 : memref<80xi32, #tpu.memory_space<hbm>>) dst(%dma_wait3A_654 : memref<80xi32, #tpu.memory_space<vmem>>)
        %dma_wait3A_657 = arith.constant 0 : i32
        %dma_wait3A_658 = arith.constant 0 : i32
        %dma_wait3A_659 = tpu.memref_slice %arg12[%dma_wait3A_657, %dma_wait3A_658] : memref<2x80xi32, #tpu.memory_space<vmem>> -> memref<1x80xi32, #tpu.memory_space<vmem>>
        %dma_wait3A_660 = tpu.memref_squeeze %dma_wait3A_659 : memref<1x80xi32, #tpu.memory_space<vmem>> -> memref<80xi32, #tpu.memory_space<vmem>>
        %dma_wait3A_661 = arith.constant 0 : i32
        %dma_wait3A_662 = tpu.memref_slice %arg5[%dma_wait3A_661] : memref<320000xi32, #tpu.memory_space<hbm>> -> memref<80xi32, #tpu.memory_space<hbm>>
        %dma_wait3A_663 = arith.constant 0 : i32
        %dma_wait3A_664 = tpu.memref_slice %arg12[%dma_wait3A_657, %dma_wait3A_663] : memref<2x80xi32, #tpu.memory_space<vmem>> -> memref<1x80xi32, #tpu.memory_space<vmem>>
        %dma_wait3A_665 = tpu.memref_squeeze %dma_wait3A_664 : memref<1x80xi32, #tpu.memory_space<vmem>> -> memref<80xi32, #tpu.memory_space<vmem>>
        %dma_wait3A_666 = arith.constant 0 : i32
        %dma_wait3A_667 = tpu.memref_slice %arg5[%dma_wait3A_666] : memref<320000xi32, #tpu.memory_space<hbm>> -> memref<80xi32, #tpu.memory_space<hbm>>
        tpu.wait_dma2 semaphore(%arg17 : memref<!tpu.dma_semaphore, #tpu.memory_space<semaphore_mem>>) src(%dma_wait3A_667 : memref<80xi32, #tpu.memory_space<hbm>>) dst(%dma_wait3A_665 : memref<80xi32, #tpu.memory_space<vmem>>)
        %dma_start3A_668 = arith.constant 0 : i32
        %dma_start3A_669 = arith.constant 0 : i32
        %dma_start3A_670 = arith.constant 0 : i32
        %dma_start3A_671 = arith.constant 0 : i32
        %dma_start3A_672 = tpu.memref_slice %arg9[%dma_start3A_669, %dma_start3A_670, %dma_start3A_671] : memref<2x80x128xf32, #tpu.memory_space<vmem>> -> memref<1x80x128xf32, #tpu.memory_space<vmem>>
        %dma_start3A_673 = tpu.memref_squeeze %dma_start3A_672 : memref<1x80x128xf32, #tpu.memory_space<vmem>> -> memref<80x128xf32, #tpu.memory_space<vmem>>
        %dma_start3A_674 = arith.constant 0 : i32
        %dma_start3A_675 = tpu.memref_slice %arg11[%dma_start3A_668, %dma_start3A_674] : memref<2x80xi32, #tpu.memory_space<vmem>> -> memref<1x80xi32, #tpu.memory_space<vmem>>
        %dma_start3A_676 = tpu.memref_squeeze %dma_start3A_675 : memref<1x80xi32, #tpu.memory_space<vmem>> -> memref<80xi32, #tpu.memory_space<vmem>>
        %dma_start3A_677 = arith.constant 0 : i32
        %dma_start3A_678 = arith.constant 0 : i32
        %dma_start3A_679 = tpu.memref_slice %arg2[%dma_start3A_677, %dma_start3A_678] : memref<10000x128xf32, #tpu.memory_space<hbm>> -> memref<10000x128xf32, #tpu.memory_space<hbm>>
        tpu.enqueue_indirect_dma source(%dma_start3A_679 : memref<10000x128xf32, #tpu.memory_space<hbm>>) target(%dma_start3A_673 : memref<80x128xf32, #tpu.memory_space<vmem>>) offsets(%dma_start3A_676 : memref<80xi32, #tpu.memory_space<vmem>>) semaphore(%arg15 : memref<!tpu.dma_semaphore, #tpu.memory_space<semaphore_mem>>)
        %dma_start3A_680 = arith.constant 0 : i32
        %dma_start3A_681 = arith.constant 0 : i32
        %dma_start3A_682 = arith.constant 0 : i32
        %dma_start3A_683 = arith.constant 0 : i32
        %dma_start3A_684 = tpu.memref_slice %arg10[%dma_start3A_681, %dma_start3A_682, %dma_start3A_683] : memref<2x80x128xf32, #tpu.memory_space<vmem>> -> memref<1x80x128xf32, #tpu.memory_space<vmem>>
        %dma_start3A_685 = tpu.memref_squeeze %dma_start3A_684 : memref<1x80x128xf32, #tpu.memory_space<vmem>> -> memref<80x128xf32, #tpu.memory_space<vmem>>
        %dma_start3A_686 = arith.constant 0 : i32
        %dma_start3A_687 = tpu.memref_slice %arg12[%dma_start3A_680, %dma_start3A_686] : memref<2x80xi32, #tpu.memory_space<vmem>> -> memref<1x80xi32, #tpu.memory_space<vmem>>
        %dma_start3A_688 = tpu.memref_squeeze %dma_start3A_687 : memref<1x80xi32, #tpu.memory_space<vmem>> -> memref<80xi32, #tpu.memory_space<vmem>>
        %dma_start3A_689 = arith.constant 0 : i32
        %dma_start3A_690 = arith.constant 0 : i32
        %dma_start3A_691 = tpu.memref_slice %arg2[%dma_start3A_689, %dma_start3A_690] : memref<10000x128xf32, #tpu.memory_space<hbm>> -> memref<10000x128xf32, #tpu.memory_space<hbm>>
        tpu.enqueue_indirect_dma source(%dma_start3A_691 : memref<10000x128xf32, #tpu.memory_space<hbm>>) target(%dma_start3A_685 : memref<80x128xf32, #tpu.memory_space<vmem>>) offsets(%dma_start3A_688 : memref<80xi32, #tpu.memory_space<vmem>>) semaphore(%arg15 : memref<!tpu.dma_semaphore, #tpu.memory_space<semaphore_mem>>)
        %dma_start3A_692 = arith.constant 0 : i32
        %dma_start3A_693 = arith.constant 0 : i32
        %dma_start3A_694 = tpu.memref_slice %arg13[%dma_start3A_692, %dma_start3A_693] : memref<2x80xi32, #tpu.memory_space<vmem>> -> memref<1x80xi32, #tpu.memory_space<vmem>>
        %dma_start3A_695 = tpu.memref_squeeze %dma_start3A_694 : memref<1x80xi32, #tpu.memory_space<vmem>> -> memref<80xi32, #tpu.memory_space<vmem>>
        %dma_start3A_696 = tpu.memref_slice %arg6[%add3A_290] : memref<320000xi32, #tpu.memory_space<hbm>> -> memref<80xi32, #tpu.memory_space<hbm>>
        %dma_start3A_697 = arith.constant 0 : i32
        %dma_start3A_698 = tpu.memref_slice %arg13[%dma_start3A_692, %dma_start3A_697] : memref<2x80xi32, #tpu.memory_space<vmem>> -> memref<1x80xi32, #tpu.memory_space<vmem>>
        %dma_start3A_699 = tpu.memref_squeeze %dma_start3A_698 : memref<1x80xi32, #tpu.memory_space<vmem>> -> memref<80xi32, #tpu.memory_space<vmem>>
        %dma_start3A_700 = tpu.memref_slice %arg6[%add3A_290] : memref<320000xi32, #tpu.memory_space<hbm>> -> memref<80xi32, #tpu.memory_space<hbm>>
        tpu.enqueue_dma source(%dma_start3A_700 : memref<80xi32, #tpu.memory_space<hbm>>) target(%dma_start3A_699 : memref<80xi32, #tpu.memory_space<vmem>>) target_semaphore(%arg19 : memref<!tpu.dma_semaphore, #tpu.memory_space<semaphore_mem>>)
      } else {
      }
      %mul3A_446 = arith.constant 2 : i32
      %mul3A_447 = arith.muli %mul3A_446, %scan3A_250 : i32
      %add3A_448 = arith.constant 1 : i32
      %add3A_449 = arith.addi %mul3A_447, %add3A_448 : i32
      %dma_wait3A_450 = arith.constant 1 : i32
      %dma_wait3A_451 = arith.constant 0 : i32
      %dma_wait3A_452 = arith.constant 0 : i32
      %dma_wait3A_453 = tpu.memref_slice %arg9[%dma_wait3A_450, %dma_wait3A_451, %dma_wait3A_452] : memref<2x80x128xf32, #tpu.memory_space<vmem>> -> memref<1x80x128xf32, #tpu.memory_space<vmem>>
      %dma_wait3A_454 = tpu.memref_squeeze %dma_wait3A_453 : memref<1x80x128xf32, #tpu.memory_space<vmem>> -> memref<80x128xf32, #tpu.memory_space<vmem>>
      %dma_wait3A_455 = arith.constant 0 : i32
      %dma_wait3A_456 = arith.constant 0 : i32
      %dma_wait3A_457 = tpu.memref_slice %arg2[%dma_wait3A_455, %dma_wait3A_456] : memref<10000x128xf32, #tpu.memory_space<hbm>> -> memref<80x128xf32, #tpu.memory_space<hbm>>
      %dma_wait3A_458 = arith.constant 0 : i32
      %dma_wait3A_459 = arith.constant 0 : i32
      %dma_wait3A_460 = tpu.memref_slice %arg9[%dma_wait3A_450, %dma_wait3A_458, %dma_wait3A_459] : memref<2x80x128xf32, #tpu.memory_space<vmem>> -> memref<1x80x128xf32, #tpu.memory_space<vmem>>
      %dma_wait3A_461 = tpu.memref_squeeze %dma_wait3A_460 : memref<1x80x128xf32, #tpu.memory_space<vmem>> -> memref<80x128xf32, #tpu.memory_space<vmem>>
      %dma_wait3A_462 = arith.constant 0 : i32
      %dma_wait3A_463 = arith.constant 0 : i32
      %dma_wait3A_464 = tpu.memref_slice %arg2[%dma_wait3A_462, %dma_wait3A_463] : memref<10000x128xf32, #tpu.memory_space<hbm>> -> memref<80x128xf32, #tpu.memory_space<hbm>>
      tpu.wait_dma2 semaphore(%arg16 : memref<!tpu.dma_semaphore, #tpu.memory_space<semaphore_mem>>) src(%dma_wait3A_464 : memref<80x128xf32, #tpu.memory_space<hbm>>) dst(%dma_wait3A_461 : memref<80x128xf32, #tpu.memory_space<vmem>>)
      %dma_wait3A_465 = arith.constant 1 : i32
      %dma_wait3A_466 = arith.constant 0 : i32
      %dma_wait3A_467 = arith.constant 0 : i32
      %dma_wait3A_468 = tpu.memref_slice %arg10[%dma_wait3A_465, %dma_wait3A_466, %dma_wait3A_467] : memref<2x80x128xf32, #tpu.memory_space<vmem>> -> memref<1x80x128xf32, #tpu.memory_space<vmem>>
      %dma_wait3A_469 = tpu.memref_squeeze %dma_wait3A_468 : memref<1x80x128xf32, #tpu.memory_space<vmem>> -> memref<80x128xf32, #tpu.memory_space<vmem>>
      %dma_wait3A_470 = arith.constant 0 : i32
      %dma_wait3A_471 = arith.constant 0 : i32
      %dma_wait3A_472 = tpu.memref_slice %arg2[%dma_wait3A_470, %dma_wait3A_471] : memref<10000x128xf32, #tpu.memory_space<hbm>> -> memref<80x128xf32, #tpu.memory_space<hbm>>
      %dma_wait3A_473 = arith.constant 0 : i32
      %dma_wait3A_474 = arith.constant 0 : i32
      %dma_wait3A_475 = tpu.memref_slice %arg10[%dma_wait3A_465, %dma_wait3A_473, %dma_wait3A_474] : memref<2x80x128xf32, #tpu.memory_space<vmem>> -> memref<1x80x128xf32, #tpu.memory_space<vmem>>
      %dma_wait3A_476 = tpu.memref_squeeze %dma_wait3A_475 : memref<1x80x128xf32, #tpu.memory_space<vmem>> -> memref<80x128xf32, #tpu.memory_space<vmem>>
      %dma_wait3A_477 = arith.constant 0 : i32
      %dma_wait3A_478 = arith.constant 0 : i32
      %dma_wait3A_479 = tpu.memref_slice %arg2[%dma_wait3A_477, %dma_wait3A_478] : memref<10000x128xf32, #tpu.memory_space<hbm>> -> memref<80x128xf32, #tpu.memory_space<hbm>>
      tpu.wait_dma2 semaphore(%arg16 : memref<!tpu.dma_semaphore, #tpu.memory_space<semaphore_mem>>) src(%dma_wait3A_479 : memref<80x128xf32, #tpu.memory_space<hbm>>) dst(%dma_wait3A_476 : memref<80x128xf32, #tpu.memory_space<vmem>>)
      %add3A_480 = arith.constant 2 : i32
      %add3A_481 = arith.addi %add3A_449, %add3A_480 : i32
      %lt3A_482 = arith.constant 125 : i32
      %lt3A_483 = arith.cmpi slt, %add3A_481, %lt3A_482 : i32
      %add3A_484 = arith.constant 2 : i32
      %add3A_485 = arith.addi %add3A_449, %add3A_484 : i32
      %mul3A_486 = arith.constant 80 : i32
      %mul3A_487 = arith.muli %add3A_485, %mul3A_486 : i32
      %add3A_488 = arith.addi %mul3A_2, %mul3A_487 : i32
      %convert_element_type3A_489 = arith.extui %lt3A_483 : i1 to i32
      %cond3A_490 = arith.constant 0 : i32
      %cond3A_491 = arith.cmpi ne, %convert_element_type3A_489, %cond3A_490 : i32
      scf.if %cond3A_491 {
        %dma_start3A_646 = arith.constant 1 : i32
        %dma_start3A_647 = arith.constant 0 : i32
        %dma_start3A_648 = tpu.memref_slice %arg11[%dma_start3A_646, %dma_start3A_647] : memref<2x80xi32, #tpu.memory_space<vmem>> -> memref<1x80xi32, #tpu.memory_space<vmem>>
        %dma_start3A_649 = tpu.memref_squeeze %dma_start3A_648 : memref<1x80xi32, #tpu.memory_space<vmem>> -> memref<80xi32, #tpu.memory_space<vmem>>
        %dma_start3A_650 = tpu.memref_slice %arg4[%add3A_488] : memref<320000xi32, #tpu.memory_space<hbm>> -> memref<80xi32, #tpu.memory_space<hbm>>
        %dma_start3A_651 = arith.constant 0 : i32
        %dma_start3A_652 = tpu.memref_slice %arg11[%dma_start3A_646, %dma_start3A_651] : memref<2x80xi32, #tpu.memory_space<vmem>> -> memref<1x80xi32, #tpu.memory_space<vmem>>
        %dma_start3A_653 = tpu.memref_squeeze %dma_start3A_652 : memref<1x80xi32, #tpu.memory_space<vmem>> -> memref<80xi32, #tpu.memory_space<vmem>>
        %dma_start3A_654 = tpu.memref_slice %arg4[%add3A_488] : memref<320000xi32, #tpu.memory_space<hbm>> -> memref<80xi32, #tpu.memory_space<hbm>>
        tpu.enqueue_dma source(%dma_start3A_654 : memref<80xi32, #tpu.memory_space<hbm>>) target(%dma_start3A_653 : memref<80xi32, #tpu.memory_space<vmem>>) target_semaphore(%arg18 : memref<!tpu.dma_semaphore, #tpu.memory_space<semaphore_mem>>)
        %dma_start3A_655 = arith.constant 1 : i32
        %dma_start3A_656 = arith.constant 0 : i32
        %dma_start3A_657 = tpu.memref_slice %arg12[%dma_start3A_655, %dma_start3A_656] : memref<2x80xi32, #tpu.memory_space<vmem>> -> memref<1x80xi32, #tpu.memory_space<vmem>>
        %dma_start3A_658 = tpu.memref_squeeze %dma_start3A_657 : memref<1x80xi32, #tpu.memory_space<vmem>> -> memref<80xi32, #tpu.memory_space<vmem>>
        %dma_start3A_659 = tpu.memref_slice %arg5[%add3A_488] : memref<320000xi32, #tpu.memory_space<hbm>> -> memref<80xi32, #tpu.memory_space<hbm>>
        %dma_start3A_660 = arith.constant 0 : i32
        %dma_start3A_661 = tpu.memref_slice %arg12[%dma_start3A_655, %dma_start3A_660] : memref<2x80xi32, #tpu.memory_space<vmem>> -> memref<1x80xi32, #tpu.memory_space<vmem>>
        %dma_start3A_662 = tpu.memref_squeeze %dma_start3A_661 : memref<1x80xi32, #tpu.memory_space<vmem>> -> memref<80xi32, #tpu.memory_space<vmem>>
        %dma_start3A_663 = tpu.memref_slice %arg5[%add3A_488] : memref<320000xi32, #tpu.memory_space<hbm>> -> memref<80xi32, #tpu.memory_space<hbm>>
        tpu.enqueue_dma source(%dma_start3A_663 : memref<80xi32, #tpu.memory_space<hbm>>) target(%dma_start3A_662 : memref<80xi32, #tpu.memory_space<vmem>>) target_semaphore(%arg18 : memref<!tpu.dma_semaphore, #tpu.memory_space<semaphore_mem>>)
      } else {
      }
      %dma_wait3A_492 = arith.constant 1 : i32
      %dma_wait3A_493 = arith.constant 0 : i32
      %dma_wait3A_494 = tpu.memref_slice %arg13[%dma_wait3A_492, %dma_wait3A_493] : memref<2x80xi32, #tpu.memory_space<vmem>> -> memref<1x80xi32, #tpu.memory_space<vmem>>
      %dma_wait3A_495 = tpu.memref_squeeze %dma_wait3A_494 : memref<1x80xi32, #tpu.memory_space<vmem>> -> memref<80xi32, #tpu.memory_space<vmem>>
      %dma_wait3A_496 = arith.constant 0 : i32
      %dma_wait3A_497 = tpu.memref_slice %arg6[%dma_wait3A_496] : memref<320000xi32, #tpu.memory_space<hbm>> -> memref<80xi32, #tpu.memory_space<hbm>>
      %dma_wait3A_498 = arith.constant 0 : i32
      %dma_wait3A_499 = tpu.memref_slice %arg13[%dma_wait3A_492, %dma_wait3A_498] : memref<2x80xi32, #tpu.memory_space<vmem>> -> memref<1x80xi32, #tpu.memory_space<vmem>>
      %dma_wait3A_500 = tpu.memref_squeeze %dma_wait3A_499 : memref<1x80xi32, #tpu.memory_space<vmem>> -> memref<80xi32, #tpu.memory_space<vmem>>
      %dma_wait3A_501 = arith.constant 0 : i32
      %dma_wait3A_502 = tpu.memref_slice %arg6[%dma_wait3A_501] : memref<320000xi32, #tpu.memory_space<hbm>> -> memref<80xi32, #tpu.memory_space<hbm>>
      tpu.wait_dma2 semaphore(%arg20 : memref<!tpu.dma_semaphore, #tpu.memory_space<semaphore_mem>>) src(%dma_wait3A_502 : memref<80xi32, #tpu.memory_space<hbm>>) dst(%dma_wait3A_500 : memref<80xi32, #tpu.memory_space<vmem>>)
      %mul3A_503 = arith.constant 80 : i32
      %mul3A_504 = arith.muli %add3A_449, %mul3A_503 : i32
      %iota3A_505 = tpu.iota {dimensions = array<i32: 0>} : vector<16xi32>
      %broadcast_in_dim3A_506 = arith.constant 1 : i32
      %broadcast_in_dim3A_507 = vector.broadcast %broadcast_in_dim3A_506 : i32 to vector<16xi32>
      %add3A_508 = arith.constant 0 : i32
      %add3A_509 = vector.broadcast %add3A_508 : i32 to vector<16xi32>
      %add3A_510 = arith.addi %iota3A_505, %add3A_509 : vector<16xi32>
      %get3A_511 = arith.constant 1 : i32
      %get3A_512 = arith.index_cast %get3A_511 : i32 to index
      %get3A_513 = arith.constant 0 : index
      %get3A_514 = tpu.vector_load %arg13[%get3A_512, %get3A_513] {strides = array<i32>} : memref<2x80xi32, #tpu.memory_space<vmem>>, vector<16xi32>,
      %broadcast_in_dim3A_515 = arith.constant 0.000000e+00 : f32
      %broadcast_in_dim3A_516 = vector.broadcast %broadcast_in_dim3A_515 : f32 to vector<16xf32>
      %scan3A_517 = arith.constant 0 : i32
      %scan3A_518 = arith.constant 0 : i32
      %scan3A_519 = arith.addi %scan3A_517, %scan3A_518 : i32
      %scan3A_520 = arith.constant 0 : i32
      %scan3A_521 = arith.addi %scan3A_517, %scan3A_520 : i32
      %broadcast_in_dim3A_522 = vector.broadcast %scan3A_521 : i32 to vector<16xi32>
      %gather3A_523 = tpu.vector_load_idx %arg9[%broadcast_in_dim3A_507, %add3A_510, %broadcast_in_dim3A_522] : memref<2x80x128xf32, #tpu.memory_space<vmem>>[vector<16xi32>, vector<16xi32>, vector<16xi32>], vector<16xf32>,
      %gather3A_524 = tpu.vector_load_idx %arg10[%broadcast_in_dim3A_507, %add3A_510, %broadcast_in_dim3A_522] : memref<2x80x128xf32, #tpu.memory_space<vmem>>[vector<16xi32>, vector<16xi32>, vector<16xi32>], vector<16xf32>,
      %gather3A_525 = tpu.vector_load_idx %arg8[%get3A_514, %broadcast_in_dim3A_522] : memref<500x128xf32, #tpu.memory_space<vmem>>[vector<16xi32>, vector<16xi32>], vector<16xf32>,
      %mul3A_526 = arith.mulf %gather3A_523, %gather3A_525 : vector<16xf32>
      %sub3A_527 = arith.subf %mul3A_526, %gather3A_524 : vector<16xf32>
      %mul3A_528 = arith.mulf %sub3A_527, %sub3A_527 : vector<16xf32>
      %add3A_529 = arith.addf %broadcast_in_dim3A_516, %mul3A_528 : vector<16xf32>
      %scan3A_530 = arith.constant 1 : i32
      %add3A_531 = arith.constant 0 : i32
      %add3A_532 = arith.addi %mul3A_504, %add3A_531 : i32
      %swap3A_533 = arith.index_cast %add3A_532 : i32 to index
      %swap3A_534 = tpu.vector_load %arg14[%swap3A_533] {strides = array<i32>} : memref<10000xf32, #tpu.memory_space<vmem>>, vector<16xf32>,
      tpu.vector_store %arg14[%swap3A_533], %add3A_529 {strides = array<i32>} : memref<10000xf32, #tpu.memory_space<vmem>>, vector<16xf32>,
      %add3A_535 = arith.constant 16 : i32
      %add3A_536 = vector.broadcast %add3A_535 : i32 to vector<16xi32>
      %add3A_537 = arith.addi %iota3A_505, %add3A_536 : vector<16xi32>
      %get3A_538 = arith.constant 1 : i32
      %get3A_539 = arith.index_cast %get3A_538 : i32 to index
      %get3A_540 = arith.constant 16 : index
      %get3A_541 = tpu.vector_load %arg13[%get3A_539, %get3A_540] {strides = array<i32>} : memref<2x80xi32, #tpu.memory_space<vmem>>, vector<16xi32>,
      %broadcast_in_dim3A_542 = arith.constant 0.000000e+00 : f32
      %broadcast_in_dim3A_543 = vector.broadcast %broadcast_in_dim3A_542 : f32 to vector<16xf32>
      %scan3A_544 = arith.constant 0 : i32
      %scan3A_545 = arith.constant 0 : i32
      %scan3A_546 = arith.addi %scan3A_544, %scan3A_545 : i32
      %scan3A_547 = arith.constant 0 : i32
      %scan3A_548 = arith.addi %scan3A_544, %scan3A_547 : i32
      %broadcast_in_dim3A_549 = vector.broadcast %scan3A_548 : i32 to vector<16xi32>
      %gather3A_550 = tpu.vector_load_idx %arg9[%broadcast_in_dim3A_507, %add3A_537, %broadcast_in_dim3A_549] : memref<2x80x128xf32, #tpu.memory_space<vmem>>[vector<16xi32>, vector<16xi32>, vector<16xi32>], vector<16xf32>,
      %gather3A_551 = tpu.vector_load_idx %arg10[%broadcast_in_dim3A_507, %add3A_537, %broadcast_in_dim3A_549] : memref<2x80x128xf32, #tpu.memory_space<vmem>>[vector<16xi32>, vector<16xi32>, vector<16xi32>], vector<16xf32>,
      %gather3A_552 = tpu.vector_load_idx %arg8[%get3A_541, %broadcast_in_dim3A_549] : memref<500x128xf32, #tpu.memory_space<vmem>>[vector<16xi32>, vector<16xi32>], vector<16xf32>,
      %mul3A_553 = arith.mulf %gather3A_550, %gather3A_552 : vector<16xf32>
      %sub3A_554 = arith.subf %mul3A_553, %gather3A_551 : vector<16xf32>
      %mul3A_555 = arith.mulf %sub3A_554, %sub3A_554 : vector<16xf32>
      %add3A_556 = arith.addf %broadcast_in_dim3A_543, %mul3A_555 : vector<16xf32>
      %scan3A_557 = arith.constant 1 : i32
      %add3A_558 = arith.constant 16 : i32
      %add3A_559 = arith.addi %mul3A_504, %add3A_558 : i32
      %swap3A_560 = arith.index_cast %add3A_559 : i32 to index
      %swap3A_561 = tpu.vector_load %arg14[%swap3A_560] {strides = array<i32>} : memref<10000xf32, #tpu.memory_space<vmem>>, vector<16xf32>,
      tpu.vector_store %arg14[%swap3A_560], %add3A_556 {strides = array<i32>} : memref<10000xf32, #tpu.memory_space<vmem>>, vector<16xf32>,
      %add3A_562 = arith.constant 32 : i32
      %add3A_563 = vector.broadcast %add3A_562 : i32 to vector<16xi32>
      %add3A_564 = arith.addi %iota3A_505, %add3A_563 : vector<16xi32>
      %get3A_565 = arith.constant 1 : i32
      %get3A_566 = arith.index_cast %get3A_565 : i32 to index
      %get3A_567 = arith.constant 32 : index
      %get3A_568 = tpu.vector_load %arg13[%get3A_566, %get3A_567] {strides = array<i32>} : memref<2x80xi32, #tpu.memory_space<vmem>>, vector<16xi32>,
      %broadcast_in_dim3A_569 = arith.constant 0.000000e+00 : f32
      %broadcast_in_dim3A_570 = vector.broadcast %broadcast_in_dim3A_569 : f32 to vector<16xf32>
      %scan3A_571 = arith.constant 0 : i32
      %scan3A_572 = arith.constant 0 : i32
      %scan3A_573 = arith.addi %scan3A_571, %scan3A_572 : i32
      %scan3A_574 = arith.constant 0 : i32
      %scan3A_575 = arith.addi %scan3A_571, %scan3A_574 : i32
      %broadcast_in_dim3A_576 = vector.broadcast %scan3A_575 : i32 to vector<16xi32>
      %gather3A_577 = tpu.vector_load_idx %arg9[%broadcast_in_dim3A_507, %add3A_564, %broadcast_in_dim3A_576] : memref<2x80x128xf32, #tpu.memory_space<vmem>>[vector<16xi32>, vector<16xi32>, vector<16xi32>], vector<16xf32>,
      %gather3A_578 = tpu.vector_load_idx %arg10[%broadcast_in_dim3A_507, %add3A_564, %broadcast_in_dim3A_576] : memref<2x80x128xf32, #tpu.memory_space<vmem>>[vector<16xi32>, vector<16xi32>, vector<16xi32>], vector<16xf32>,
      %gather3A_579 = tpu.vector_load_idx %arg8[%get3A_568, %broadcast_in_dim3A_576] : memref<500x128xf32, #tpu.memory_space<vmem>>[vector<16xi32>, vector<16xi32>], vector<16xf32>,
      %mul3A_580 = arith.mulf %gather3A_577, %gather3A_579 : vector<16xf32>
      %sub3A_581 = arith.subf %mul3A_580, %gather3A_578 : vector<16xf32>
      %mul3A_582 = arith.mulf %sub3A_581, %sub3A_581 : vector<16xf32>
      %add3A_583 = arith.addf %broadcast_in_dim3A_570, %mul3A_582 : vector<16xf32>
      %scan3A_584 = arith.constant 1 : i32
      %add3A_585 = arith.constant 32 : i32
      %add3A_586 = arith.addi %mul3A_504, %add3A_585 : i32
      %swap3A_587 = arith.index_cast %add3A_586 : i32 to index
      %swap3A_588 = tpu.vector_load %arg14[%swap3A_587] {strides = array<i32>} : memref<10000xf32, #tpu.memory_space<vmem>>, vector<16xf32>,
      tpu.vector_store %arg14[%swap3A_587], %add3A_583 {strides = array<i32>} : memref<10000xf32, #tpu.memory_space<vmem>>, vector<16xf32>,
      %add3A_589 = arith.constant 48 : i32
      %add3A_590 = vector.broadcast %add3A_589 : i32 to vector<16xi32>
      %add3A_591 = arith.addi %iota3A_505, %add3A_590 : vector<16xi32>
      %get3A_592 = arith.constant 1 : i32
      %get3A_593 = arith.index_cast %get3A_592 : i32 to index
      %get3A_594 = arith.constant 48 : index
      %get3A_595 = tpu.vector_load %arg13[%get3A_593, %get3A_594] {strides = array<i32>} : memref<2x80xi32, #tpu.memory_space<vmem>>, vector<16xi32>,
      %broadcast_in_dim3A_596 = arith.constant 0.000000e+00 : f32
      %broadcast_in_dim3A_597 = vector.broadcast %broadcast_in_dim3A_596 : f32 to vector<16xf32>
      %scan3A_598 = arith.constant 0 : i32
      %scan3A_599 = arith.constant 0 : i32
      %scan3A_600 = arith.addi %scan3A_598, %scan3A_599 : i32
      %scan3A_601 = arith.constant 0 : i32
      %scan3A_602 = arith.addi %scan3A_598, %scan3A_601 : i32
      %broadcast_in_dim3A_603 = vector.broadcast %scan3A_602 : i32 to vector<16xi32>
      %gather3A_604 = tpu.vector_load_idx %arg9[%broadcast_in_dim3A_507, %add3A_591, %broadcast_in_dim3A_603] : memref<2x80x128xf32, #tpu.memory_space<vmem>>[vector<16xi32>, vector<16xi32>, vector<16xi32>], vector<16xf32>,
      %gather3A_605 = tpu.vector_load_idx %arg10[%broadcast_in_dim3A_507, %add3A_591, %broadcast_in_dim3A_603] : memref<2x80x128xf32, #tpu.memory_space<vmem>>[vector<16xi32>, vector<16xi32>, vector<16xi32>], vector<16xf32>,
      %gather3A_606 = tpu.vector_load_idx %arg8[%get3A_595, %broadcast_in_dim3A_603] : memref<500x128xf32, #tpu.memory_space<vmem>>[vector<16xi32>, vector<16xi32>], vector<16xf32>,
      %mul3A_607 = arith.mulf %gather3A_604, %gather3A_606 : vector<16xf32>
      %sub3A_608 = arith.subf %mul3A_607, %gather3A_605 : vector<16xf32>
      %mul3A_609 = arith.mulf %sub3A_608, %sub3A_608 : vector<16xf32>
      %add3A_610 = arith.addf %broadcast_in_dim3A_597, %mul3A_609 : vector<16xf32>
      %scan3A_611 = arith.constant 1 : i32
      %add3A_612 = arith.constant 48 : i32
      %add3A_613 = arith.addi %mul3A_504, %add3A_612 : i32
      %swap3A_614 = arith.index_cast %add3A_613 : i32 to index
      %swap3A_615 = tpu.vector_load %arg14[%swap3A_614] {strides = array<i32>} : memref<10000xf32, #tpu.memory_space<vmem>>, vector<16xf32>,
      tpu.vector_store %arg14[%swap3A_614], %add3A_610 {strides = array<i32>} : memref<10000xf32, #tpu.memory_space<vmem>>, vector<16xf32>,
      %add3A_616 = arith.constant 64 : i32
      %add3A_617 = vector.broadcast %add3A_616 : i32 to vector<16xi32>
      %add3A_618 = arith.addi %iota3A_505, %add3A_617 : vector<16xi32>
      %get3A_619 = arith.constant 1 : i32
      %get3A_620 = arith.index_cast %get3A_619 : i32 to index
      %get3A_621 = arith.constant 64 : index
      %get3A_622 = tpu.vector_load %arg13[%get3A_620, %get3A_621] {strides = array<i32>} : memref<2x80xi32, #tpu.memory_space<vmem>>, vector<16xi32>,
      %broadcast_in_dim3A_623 = arith.constant 0.000000e+00 : f32
      %broadcast_in_dim3A_624 = vector.broadcast %broadcast_in_dim3A_623 : f32 to vector<16xf32>
      %scan3A_625 = arith.constant 0 : i32
      %scan3A_626 = arith.constant 0 : i32
      %scan3A_627 = arith.addi %scan3A_625, %scan3A_626 : i32
      %scan3A_628 = arith.constant 0 : i32
      %scan3A_629 = arith.addi %scan3A_625, %scan3A_628 : i32
      %broadcast_in_dim3A_630 = vector.broadcast %scan3A_629 : i32 to vector<16xi32>
      %gather3A_631 = tpu.vector_load_idx %arg9[%broadcast_in_dim3A_507, %add3A_618, %broadcast_in_dim3A_630] : memref<2x80x128xf32, #tpu.memory_space<vmem>>[vector<16xi32>, vector<16xi32>, vector<16xi32>], vector<16xf32>,
      %gather3A_632 = tpu.vector_load_idx %arg10[%broadcast_in_dim3A_507, %add3A_618, %broadcast_in_dim3A_630] : memref<2x80x128xf32, #tpu.memory_space<vmem>>[vector<16xi32>, vector<16xi32>, vector<16xi32>], vector<16xf32>,
      %gather3A_633 = tpu.vector_load_idx %arg8[%get3A_622, %broadcast_in_dim3A_630] : memref<500x128xf32, #tpu.memory_space<vmem>>[vector<16xi32>, vector<16xi32>], vector<16xf32>,
      %mul3A_634 = arith.mulf %gather3A_631, %gather3A_633 : vector<16xf32>
      %sub3A_635 = arith.subf %mul3A_634, %gather3A_632 : vector<16xf32>
      %mul3A_636 = arith.mulf %sub3A_635, %sub3A_635 : vector<16xf32>
      %add3A_637 = arith.addf %broadcast_in_dim3A_624, %mul3A_636 : vector<16xf32>
      %scan3A_638 = arith.constant 1 : i32
      %add3A_639 = arith.constant 64 : i32
      %add3A_640 = arith.addi %mul3A_504, %add3A_639 : i32
      %swap3A_641 = arith.index_cast %add3A_640 : i32 to index
      %swap3A_642 = tpu.vector_load %arg14[%swap3A_641] {strides = array<i32>} : memref<10000xf32, #tpu.memory_space<vmem>>, vector<16xf32>,
      tpu.vector_store %arg14[%swap3A_641], %add3A_637 {strides = array<i32>} : memref<10000xf32, #tpu.memory_space<vmem>>, vector<16xf32>,
      %convert_element_type3A_643 = arith.extui %lt3A_483 : i1 to i32
      %cond3A_644 = arith.constant 0 : i32
      %cond3A_645 = arith.cmpi ne, %convert_element_type3A_643, %cond3A_644 : i32
      scf.if %cond3A_645 {
        %dma_wait3A_646 = arith.constant 1 : i32
        %dma_wait3A_647 = arith.constant 0 : i32
        %dma_wait3A_648 = tpu.memref_slice %arg11[%dma_wait3A_646, %dma_wait3A_647] : memref<2x80xi32, #tpu.memory_space<vmem>> -> memref<1x80xi32, #tpu.memory_space<vmem>>
        %dma_wait3A_649 = tpu.memref_squeeze %dma_wait3A_648 : memref<1x80xi32, #tpu.memory_space<vmem>> -> memref<80xi32, #tpu.memory_space<vmem>>
        %dma_wait3A_650 = arith.constant 0 : i32
        %dma_wait3A_651 = tpu.memref_slice %arg4[%dma_wait3A_650] : memref<320000xi32, #tpu.memory_space<hbm>> -> memref<80xi32, #tpu.memory_space<hbm>>
        %dma_wait3A_652 = arith.constant 0 : i32
        %dma_wait3A_653 = tpu.memref_slice %arg11[%dma_wait3A_646, %dma_wait3A_652] : memref<2x80xi32, #tpu.memory_space<vmem>> -> memref<1x80xi32, #tpu.memory_space<vmem>>
        %dma_wait3A_654 = tpu.memref_squeeze %dma_wait3A_653 : memref<1x80xi32, #tpu.memory_space<vmem>> -> memref<80xi32, #tpu.memory_space<vmem>>
        %dma_wait3A_655 = arith.constant 0 : i32
        %dma_wait3A_656 = tpu.memref_slice %arg4[%dma_wait3A_655] : memref<320000xi32, #tpu.memory_space<hbm>> -> memref<80xi32, #tpu.memory_space<hbm>>
        tpu.wait_dma2 semaphore(%arg18 : memref<!tpu.dma_semaphore, #tpu.memory_space<semaphore_mem>>) src(%dma_wait3A_656 : memref<80xi32, #tpu.memory_space<hbm>>) dst(%dma_wait3A_654 : memref<80xi32, #tpu.memory_space<vmem>>)
        %dma_wait3A_657 = arith.constant 1 : i32
        %dma_wait3A_658 = arith.constant 0 : i32
        %dma_wait3A_659 = tpu.memref_slice %arg12[%dma_wait3A_657, %dma_wait3A_658] : memref<2x80xi32, #tpu.memory_space<vmem>> -> memref<1x80xi32, #tpu.memory_space<vmem>>
        %dma_wait3A_660 = tpu.memref_squeeze %dma_wait3A_659 : memref<1x80xi32, #tpu.memory_space<vmem>> -> memref<80xi32, #tpu.memory_space<vmem>>
        %dma_wait3A_661 = arith.constant 0 : i32
        %dma_wait3A_662 = tpu.memref_slice %arg5[%dma_wait3A_661] : memref<320000xi32, #tpu.memory_space<hbm>> -> memref<80xi32, #tpu.memory_space<hbm>>
        %dma_wait3A_663 = arith.constant 0 : i32
        %dma_wait3A_664 = tpu.memref_slice %arg12[%dma_wait3A_657, %dma_wait3A_663] : memref<2x80xi32, #tpu.memory_space<vmem>> -> memref<1x80xi32, #tpu.memory_space<vmem>>
        %dma_wait3A_665 = tpu.memref_squeeze %dma_wait3A_664 : memref<1x80xi32, #tpu.memory_space<vmem>> -> memref<80xi32, #tpu.memory_space<vmem>>
        %dma_wait3A_666 = arith.constant 0 : i32
        %dma_wait3A_667 = tpu.memref_slice %arg5[%dma_wait3A_666] : memref<320000xi32, #tpu.memory_space<hbm>> -> memref<80xi32, #tpu.memory_space<hbm>>
        tpu.wait_dma2 semaphore(%arg18 : memref<!tpu.dma_semaphore, #tpu.memory_space<semaphore_mem>>) src(%dma_wait3A_667 : memref<80xi32, #tpu.memory_space<hbm>>) dst(%dma_wait3A_665 : memref<80xi32, #tpu.memory_space<vmem>>)
        %dma_start3A_668 = arith.constant 1 : i32
        %dma_start3A_669 = arith.constant 1 : i32
        %dma_start3A_670 = arith.constant 0 : i32
        %dma_start3A_671 = arith.constant 0 : i32
        %dma_start3A_672 = tpu.memref_slice %arg9[%dma_start3A_669, %dma_start3A_670, %dma_start3A_671] : memref<2x80x128xf32, #tpu.memory_space<vmem>> -> memref<1x80x128xf32, #tpu.memory_space<vmem>>
        %dma_start3A_673 = tpu.memref_squeeze %dma_start3A_672 : memref<1x80x128xf32, #tpu.memory_space<vmem>> -> memref<80x128xf32, #tpu.memory_space<vmem>>
        %dma_start3A_674 = arith.constant 0 : i32
        %dma_start3A_675 = tpu.memref_slice %arg11[%dma_start3A_668, %dma_start3A_674] : memref<2x80xi32, #tpu.memory_space<vmem>> -> memref<1x80xi32, #tpu.memory_space<vmem>>
        %dma_start3A_676 = tpu.memref_squeeze %dma_start3A_675 : memref<1x80xi32, #tpu.memory_space<vmem>> -> memref<80xi32, #tpu.memory_space<vmem>>
        %dma_start3A_677 = arith.constant 0 : i32
        %dma_start3A_678 = arith.constant 0 : i32
        %dma_start3A_679 = tpu.memref_slice %arg2[%dma_start3A_677, %dma_start3A_678] : memref<10000x128xf32, #tpu.memory_space<hbm>> -> memref<10000x128xf32, #tpu.memory_space<hbm>>
        tpu.enqueue_indirect_dma source(%dma_start3A_679 : memref<10000x128xf32, #tpu.memory_space<hbm>>) target(%dma_start3A_673 : memref<80x128xf32, #tpu.memory_space<vmem>>) offsets(%dma_start3A_676 : memref<80xi32, #tpu.memory_space<vmem>>) semaphore(%arg16 : memref<!tpu.dma_semaphore, #tpu.memory_space<semaphore_mem>>)
        %dma_start3A_680 = arith.constant 1 : i32
        %dma_start3A_681 = arith.constant 1 : i32
        %dma_start3A_682 = arith.constant 0 : i32
        %dma_start3A_683 = arith.constant 0 : i32
        %dma_start3A_684 = tpu.memref_slice %arg10[%dma_start3A_681, %dma_start3A_682, %dma_start3A_683] : memref<2x80x128xf32, #tpu.memory_space<vmem>> -> memref<1x80x128xf32, #tpu.memory_space<vmem>>
        %dma_start3A_685 = tpu.memref_squeeze %dma_start3A_684 : memref<1x80x128xf32, #tpu.memory_space<vmem>> -> memref<80x128xf32, #tpu.memory_space<vmem>>
        %dma_start3A_686 = arith.constant 0 : i32
        %dma_start3A_687 = tpu.memref_slice %arg12[%dma_start3A_680, %dma_start3A_686] : memref<2x80xi32, #tpu.memory_space<vmem>> -> memref<1x80xi32, #tpu.memory_space<vmem>>
        %dma_start3A_688 = tpu.memref_squeeze %dma_start3A_687 : memref<1x80xi32, #tpu.memory_space<vmem>> -> memref<80xi32, #tpu.memory_space<vmem>>
        %dma_start3A_689 = arith.constant 0 : i32
        %dma_start3A_690 = arith.constant 0 : i32
        %dma_start3A_691 = tpu.memref_slice %arg2[%dma_start3A_689, %dma_start3A_690] : memref<10000x128xf32, #tpu.memory_space<hbm>> -> memref<10000x128xf32, #tpu.memory_space<hbm>>
        tpu.enqueue_indirect_dma source(%dma_start3A_691 : memref<10000x128xf32, #tpu.memory_space<hbm>>) target(%dma_start3A_685 : memref<80x128xf32, #tpu.memory_space<vmem>>) offsets(%dma_start3A_688 : memref<80xi32, #tpu.memory_space<vmem>>) semaphore(%arg16 : memref<!tpu.dma_semaphore, #tpu.memory_space<semaphore_mem>>)
        %dma_start3A_692 = arith.constant 1 : i32
        %dma_start3A_693 = arith.constant 0 : i32
        %dma_start3A_694 = tpu.memref_slice %arg13[%dma_start3A_692, %dma_start3A_693] : memref<2x80xi32, #tpu.memory_space<vmem>> -> memref<1x80xi32, #tpu.memory_space<vmem>>
        %dma_start3A_695 = tpu.memref_squeeze %dma_start3A_694 : memref<1x80xi32, #tpu.memory_space<vmem>> -> memref<80xi32, #tpu.memory_space<vmem>>
        %dma_start3A_696 = tpu.memref_slice %arg6[%add3A_488] : memref<320000xi32, #tpu.memory_space<hbm>> -> memref<80xi32, #tpu.memory_space<hbm>>
        %dma_start3A_697 = arith.constant 0 : i32
        %dma_start3A_698 = tpu.memref_slice %arg13[%dma_start3A_692, %dma_start3A_697] : memref<2x80xi32, #tpu.memory_space<vmem>> -> memref<1x80xi32, #tpu.memory_space<vmem>>
        %dma_start3A_699 = tpu.memref_squeeze %dma_start3A_698 : memref<1x80xi32, #tpu.memory_space<vmem>> -> memref<80xi32, #tpu.memory_space<vmem>>
        %dma_start3A_700 = tpu.memref_slice %arg6[%add3A_488] : memref<320000xi32, #tpu.memory_space<hbm>> -> memref<80xi32, #tpu.memory_space<hbm>>
        tpu.enqueue_dma source(%dma_start3A_700 : memref<80xi32, #tpu.memory_space<hbm>>) target(%dma_start3A_699 : memref<80xi32, #tpu.memory_space<vmem>>) target_semaphore(%arg20 : memref<!tpu.dma_semaphore, #tpu.memory_space<semaphore_mem>>)
      } else {
      }
    }
    %scan3A_79 = arith.constant 62 : i32
    %dma_wait3A = arith.constant 0 : i32
    %dma_wait3A_80 = arith.constant 0 : i32
    %dma_wait3A_81 = arith.constant 0 : i32
    %dma_wait3A_82 = tpu.memref_slice %arg9[%dma_wait3A, %dma_wait3A_80, %dma_wait3A_81] : memref<2x80x128xf32, #tpu.memory_space<vmem>> -> memref<1x80x128xf32, #tpu.memory_space<vmem>>
    %dma_wait3A_83 = tpu.memref_squeeze %dma_wait3A_82 : memref<1x80x128xf32, #tpu.memory_space<vmem>> -> memref<80x128xf32, #tpu.memory_space<vmem>>
    %dma_wait3A_84 = arith.constant 0 : i32
    %dma_wait3A_85 = arith.constant 0 : i32
    %dma_wait3A_86 = tpu.memref_slice %arg2[%dma_wait3A_84, %dma_wait3A_85] : memref<10000x128xf32, #tpu.memory_space<hbm>> -> memref<80x128xf32, #tpu.memory_space<hbm>>
    %dma_wait3A_87 = arith.constant 0 : i32
    %dma_wait3A_88 = arith.constant 0 : i32
    %dma_wait3A_89 = tpu.memref_slice %arg9[%dma_wait3A, %dma_wait3A_87, %dma_wait3A_88] : memref<2x80x128xf32, #tpu.memory_space<vmem>> -> memref<1x80x128xf32, #tpu.memory_space<vmem>>
    %dma_wait3A_90 = tpu.memref_squeeze %dma_wait3A_89 : memref<1x80x128xf32, #tpu.memory_space<vmem>> -> memref<80x128xf32, #tpu.memory_space<vmem>>
    %dma_wait3A_91 = arith.constant 0 : i32
    %dma_wait3A_92 = arith.constant 0 : i32
    %dma_wait3A_93 = tpu.memref_slice %arg2[%dma_wait3A_91, %dma_wait3A_92] : memref<10000x128xf32, #tpu.memory_space<hbm>> -> memref<80x128xf32, #tpu.memory_space<hbm>>
    tpu.wait_dma2 semaphore(%arg15 : memref<!tpu.dma_semaphore, #tpu.memory_space<semaphore_mem>>) src(%dma_wait3A_93 : memref<80x128xf32, #tpu.memory_space<hbm>>) dst(%dma_wait3A_90 : memref<80x128xf32, #tpu.memory_space<vmem>>)
    %dma_wait3A_94 = arith.constant 0 : i32
    %dma_wait3A_95 = arith.constant 0 : i32
    %dma_wait3A_96 = arith.constant 0 : i32
    %dma_wait3A_97 = tpu.memref_slice %arg10[%dma_wait3A_94, %dma_wait3A_95, %dma_wait3A_96] : memref<2x80x128xf32, #tpu.memory_space<vmem>> -> memref<1x80x128xf32, #tpu.memory_space<vmem>>
    %dma_wait3A_98 = tpu.memref_squeeze %dma_wait3A_97 : memref<1x80x128xf32, #tpu.memory_space<vmem>> -> memref<80x128xf32, #tpu.memory_space<vmem>>
    %dma_wait3A_99 = arith.constant 0 : i32
    %dma_wait3A_100 = arith.constant 0 : i32
    %dma_wait3A_101 = tpu.memref_slice %arg2[%dma_wait3A_99, %dma_wait3A_100] : memref<10000x128xf32, #tpu.memory_space<hbm>> -> memref<80x128xf32, #tpu.memory_space<hbm>>
    %dma_wait3A_102 = arith.constant 0 : i32
    %dma_wait3A_103 = arith.constant 0 : i32
    %dma_wait3A_104 = tpu.memref_slice %arg10[%dma_wait3A_94, %dma_wait3A_102, %dma_wait3A_103] : memref<2x80x128xf32, #tpu.memory_space<vmem>> -> memref<1x80x128xf32, #tpu.memory_space<vmem>>
    %dma_wait3A_105 = tpu.memref_squeeze %dma_wait3A_104 : memref<1x80x128xf32, #tpu.memory_space<vmem>> -> memref<80x128xf32, #tpu.memory_space<vmem>>
    %dma_wait3A_106 = arith.constant 0 : i32
    %dma_wait3A_107 = arith.constant 0 : i32
    %dma_wait3A_108 = tpu.memref_slice %arg2[%dma_wait3A_106, %dma_wait3A_107] : memref<10000x128xf32, #tpu.memory_space<hbm>> -> memref<80x128xf32, #tpu.memory_space<hbm>>
    tpu.wait_dma2 semaphore(%arg15 : memref<!tpu.dma_semaphore, #tpu.memory_space<semaphore_mem>>) src(%dma_wait3A_108 : memref<80x128xf32, #tpu.memory_space<hbm>>) dst(%dma_wait3A_105 : memref<80x128xf32, #tpu.memory_space<vmem>>)
    %add3A_109 = arith.constant 10080 : i32
    %add3A_110 = arith.addi %mul3A_2, %add3A_109 : i32
    %dma_wait3A_111 = arith.constant 0 : i32
    %dma_wait3A_112 = arith.constant 0 : i32
    %dma_wait3A_113 = tpu.memref_slice %arg13[%dma_wait3A_111, %dma_wait3A_112] : memref<2x80xi32, #tpu.memory_space<vmem>> -> memref<1x80xi32, #tpu.memory_space<vmem>>
    %dma_wait3A_114 = tpu.memref_squeeze %dma_wait3A_113 : memref<1x80xi32, #tpu.memory_space<vmem>> -> memref<80xi32, #tpu.memory_space<vmem>>
    %dma_wait3A_115 = arith.constant 0 : i32
    %dma_wait3A_116 = tpu.memref_slice %arg6[%dma_wait3A_115] : memref<320000xi32, #tpu.memory_space<hbm>> -> memref<80xi32, #tpu.memory_space<hbm>>
    %dma_wait3A_117 = arith.constant 0 : i32
    %dma_wait3A_118 = tpu.memref_slice %arg13[%dma_wait3A_111, %dma_wait3A_117] : memref<2x80xi32, #tpu.memory_space<vmem>> -> memref<1x80xi32, #tpu.memory_space<vmem>>
    %dma_wait3A_119 = tpu.memref_squeeze %dma_wait3A_118 : memref<1x80xi32, #tpu.memory_space<vmem>> -> memref<80xi32, #tpu.memory_space<vmem>>
    %dma_wait3A_120 = arith.constant 0 : i32
    %dma_wait3A_121 = tpu.memref_slice %arg6[%dma_wait3A_120] : memref<320000xi32, #tpu.memory_space<hbm>> -> memref<80xi32, #tpu.memory_space<hbm>>
    tpu.wait_dma2 semaphore(%arg19 : memref<!tpu.dma_semaphore, #tpu.memory_space<semaphore_mem>>) src(%dma_wait3A_121 : memref<80xi32, #tpu.memory_space<hbm>>) dst(%dma_wait3A_119 : memref<80xi32, #tpu.memory_space<vmem>>)
    %iota3A = tpu.iota {dimensions = array<i32: 0>} : vector<16xi32>
    %broadcast_in_dim3A = arith.constant 0 : i32
    %broadcast_in_dim3A_122 = vector.broadcast %broadcast_in_dim3A : i32 to vector<16xi32>
    %add3A_123 = arith.constant 0 : i32
    %add3A_124 = vector.broadcast %add3A_123 : i32 to vector<16xi32>
    %add3A_125 = arith.addi %iota3A, %add3A_124 : vector<16xi32>
    %get3A = arith.constant 0 : i32
    %get3A_126 = arith.index_cast %get3A : i32 to index
    %get3A_127 = arith.constant 0 : index
    %get3A_128 = tpu.vector_load %arg13[%get3A_126, %get3A_127] {strides = array<i32>} : memref<2x80xi32, #tpu.memory_space<vmem>>, vector<16xi32>,
    %broadcast_in_dim3A_129 = arith.constant 0.000000e+00 : f32
    %broadcast_in_dim3A_130 = vector.broadcast %broadcast_in_dim3A_129 : f32 to vector<16xf32>
    %scan3A_131 = arith.constant 0 : i32
    %scan3A_132 = arith.constant 0 : i32
    %scan3A_133 = arith.addi %scan3A_131, %scan3A_132 : i32
    %scan3A_134 = arith.constant 0 : i32
    %scan3A_135 = arith.addi %scan3A_131, %scan3A_134 : i32
    %broadcast_in_dim3A_136 = vector.broadcast %scan3A_135 : i32 to vector<16xi32>
    %gather3A = tpu.vector_load_idx %arg9[%broadcast_in_dim3A_122, %add3A_125, %broadcast_in_dim3A_136] : memref<2x80x128xf32, #tpu.memory_space<vmem>>[vector<16xi32>, vector<16xi32>, vector<16xi32>], vector<16xf32>,
    %gather3A_137 = tpu.vector_load_idx %arg10[%broadcast_in_dim3A_122, %add3A_125, %broadcast_in_dim3A_136] : memref<2x80x128xf32, #tpu.memory_space<vmem>>[vector<16xi32>, vector<16xi32>, vector<16xi32>], vector<16xf32>,
    %gather3A_138 = tpu.vector_load_idx %arg8[%get3A_128, %broadcast_in_dim3A_136] : memref<500x128xf32, #tpu.memory_space<vmem>>[vector<16xi32>, vector<16xi32>], vector<16xf32>,
    %mul3A_139 = arith.mulf %gather3A, %gather3A_138 : vector<16xf32>
    %sub3A = arith.subf %mul3A_139, %gather3A_137 : vector<16xf32>
    %mul3A_140 = arith.mulf %sub3A, %sub3A : vector<16xf32>
    %add3A_141 = arith.addf %broadcast_in_dim3A_130, %mul3A_140 : vector<16xf32>
    %scan3A_142 = arith.constant 1 : i32
    %swap3A = arith.constant 9920 : index
    %swap3A_143 = tpu.vector_load %arg14[%swap3A] {strides = array<i32>} : memref<10000xf32, #tpu.memory_space<vmem>>, vector<16xf32>,
    tpu.vector_store %arg14[%swap3A], %add3A_141 {strides = array<i32>} : memref<10000xf32, #tpu.memory_space<vmem>>, vector<16xf32>,
    %add3A_144 = arith.constant 16 : i32
    %add3A_145 = vector.broadcast %add3A_144 : i32 to vector<16xi32>
    %add3A_146 = arith.addi %iota3A, %add3A_145 : vector<16xi32>
    %get3A_147 = arith.constant 0 : i32
    %get3A_148 = arith.index_cast %get3A_147 : i32 to index
    %get3A_149 = arith.constant 16 : index
    %get3A_150 = tpu.vector_load %arg13[%get3A_148, %get3A_149] {strides = array<i32>} : memref<2x80xi32, #tpu.memory_space<vmem>>, vector<16xi32>,
    %broadcast_in_dim3A_151 = arith.constant 0.000000e+00 : f32
    %broadcast_in_dim3A_152 = vector.broadcast %broadcast_in_dim3A_151 : f32 to vector<16xf32>
    %scan3A_153 = arith.constant 0 : i32
    %scan3A_154 = arith.constant 0 : i32
    %scan3A_155 = arith.addi %scan3A_153, %scan3A_154 : i32
    %scan3A_156 = arith.constant 0 : i32
    %scan3A_157 = arith.addi %scan3A_153, %scan3A_156 : i32
    %broadcast_in_dim3A_158 = vector.broadcast %scan3A_157 : i32 to vector<16xi32>
    %gather3A_159 = tpu.vector_load_idx %arg9[%broadcast_in_dim3A_122, %add3A_146, %broadcast_in_dim3A_158] : memref<2x80x128xf32, #tpu.memory_space<vmem>>[vector<16xi32>, vector<16xi32>, vector<16xi32>], vector<16xf32>,
    %gather3A_160 = tpu.vector_load_idx %arg10[%broadcast_in_dim3A_122, %add3A_146, %broadcast_in_dim3A_158] : memref<2x80x128xf32, #tpu.memory_space<vmem>>[vector<16xi32>, vector<16xi32>, vector<16xi32>], vector<16xf32>,
    %gather3A_161 = tpu.vector_load_idx %arg8[%get3A_150, %broadcast_in_dim3A_158] : memref<500x128xf32, #tpu.memory_space<vmem>>[vector<16xi32>, vector<16xi32>], vector<16xf32>,
    %mul3A_162 = arith.mulf %gather3A_159, %gather3A_161 : vector<16xf32>
    %sub3A_163 = arith.subf %mul3A_162, %gather3A_160 : vector<16xf32>
    %mul3A_164 = arith.mulf %sub3A_163, %sub3A_163 : vector<16xf32>
    %add3A_165 = arith.addf %broadcast_in_dim3A_152, %mul3A_164 : vector<16xf32>
    %scan3A_166 = arith.constant 1 : i32
    %swap3A_167 = arith.constant 9936 : index
    %swap3A_168 = tpu.vector_load %arg14[%swap3A_167] {strides = array<i32>} : memref<10000xf32, #tpu.memory_space<vmem>>, vector<16xf32>,
    tpu.vector_store %arg14[%swap3A_167], %add3A_165 {strides = array<i32>} : memref<10000xf32, #tpu.memory_space<vmem>>, vector<16xf32>,
    %add3A_169 = arith.constant 32 : i32
    %add3A_170 = vector.broadcast %add3A_169 : i32 to vector<16xi32>
    %add3A_171 = arith.addi %iota3A, %add3A_170 : vector<16xi32>
    %get3A_172 = arith.constant 0 : i32
    %get3A_173 = arith.index_cast %get3A_172 : i32 to index
    %get3A_174 = arith.constant 32 : index
    %get3A_175 = tpu.vector_load %arg13[%get3A_173, %get3A_174] {strides = array<i32>} : memref<2x80xi32, #tpu.memory_space<vmem>>, vector<16xi32>,
    %broadcast_in_dim3A_176 = arith.constant 0.000000e+00 : f32
    %broadcast_in_dim3A_177 = vector.broadcast %broadcast_in_dim3A_176 : f32 to vector<16xf32>
    %scan3A_178 = arith.constant 0 : i32
    %scan3A_179 = arith.constant 0 : i32
    %scan3A_180 = arith.addi %scan3A_178, %scan3A_179 : i32
    %scan3A_181 = arith.constant 0 : i32
    %scan3A_182 = arith.addi %scan3A_178, %scan3A_181 : i32
    %broadcast_in_dim3A_183 = vector.broadcast %scan3A_182 : i32 to vector<16xi32>
    %gather3A_184 = tpu.vector_load_idx %arg9[%broadcast_in_dim3A_122, %add3A_171, %broadcast_in_dim3A_183] : memref<2x80x128xf32, #tpu.memory_space<vmem>>[vector<16xi32>, vector<16xi32>, vector<16xi32>], vector<16xf32>,
    %gather3A_185 = tpu.vector_load_idx %arg10[%broadcast_in_dim3A_122, %add3A_171, %broadcast_in_dim3A_183] : memref<2x80x128xf32, #tpu.memory_space<vmem>>[vector<16xi32>, vector<16xi32>, vector<16xi32>], vector<16xf32>,
    %gather3A_186 = tpu.vector_load_idx %arg8[%get3A_175, %broadcast_in_dim3A_183] : memref<500x128xf32, #tpu.memory_space<vmem>>[vector<16xi32>, vector<16xi32>], vector<16xf32>,
    %mul3A_187 = arith.mulf %gather3A_184, %gather3A_186 : vector<16xf32>
    %sub3A_188 = arith.subf %mul3A_187, %gather3A_185 : vector<16xf32>
    %mul3A_189 = arith.mulf %sub3A_188, %sub3A_188 : vector<16xf32>
    %add3A_190 = arith.addf %broadcast_in_dim3A_177, %mul3A_189 : vector<16xf32>
    %scan3A_191 = arith.constant 1 : i32
    %swap3A_192 = arith.constant 9952 : index
    %swap3A_193 = tpu.vector_load %arg14[%swap3A_192] {strides = array<i32>} : memref<10000xf32, #tpu.memory_space<vmem>>, vector<16xf32>,
    tpu.vector_store %arg14[%swap3A_192], %add3A_190 {strides = array<i32>} : memref<10000xf32, #tpu.memory_space<vmem>>, vector<16xf32>,
    %add3A_194 = arith.constant 48 : i32
    %add3A_195 = vector.broadcast %add3A_194 : i32 to vector<16xi32>
    %add3A_196 = arith.addi %iota3A, %add3A_195 : vector<16xi32>
    %get3A_197 = arith.constant 0 : i32
    %get3A_198 = arith.index_cast %get3A_197 : i32 to index
    %get3A_199 = arith.constant 48 : index
    %get3A_200 = tpu.vector_load %arg13[%get3A_198, %get3A_199] {strides = array<i32>} : memref<2x80xi32, #tpu.memory_space<vmem>>, vector<16xi32>,
    %broadcast_in_dim3A_201 = arith.constant 0.000000e+00 : f32
    %broadcast_in_dim3A_202 = vector.broadcast %broadcast_in_dim3A_201 : f32 to vector<16xf32>
    %scan3A_203 = arith.constant 0 : i32
    %scan3A_204 = arith.constant 0 : i32
    %scan3A_205 = arith.addi %scan3A_203, %scan3A_204 : i32
    %scan3A_206 = arith.constant 0 : i32
    %scan3A_207 = arith.addi %scan3A_203, %scan3A_206 : i32
    %broadcast_in_dim3A_208 = vector.broadcast %scan3A_207 : i32 to vector<16xi32>
    %gather3A_209 = tpu.vector_load_idx %arg9[%broadcast_in_dim3A_122, %add3A_196, %broadcast_in_dim3A_208] : memref<2x80x128xf32, #tpu.memory_space<vmem>>[vector<16xi32>, vector<16xi32>, vector<16xi32>], vector<16xf32>,
    %gather3A_210 = tpu.vector_load_idx %arg10[%broadcast_in_dim3A_122, %add3A_196, %broadcast_in_dim3A_208] : memref<2x80x128xf32, #tpu.memory_space<vmem>>[vector<16xi32>, vector<16xi32>, vector<16xi32>], vector<16xf32>,
    %gather3A_211 = tpu.vector_load_idx %arg8[%get3A_200, %broadcast_in_dim3A_208] : memref<500x128xf32, #tpu.memory_space<vmem>>[vector<16xi32>, vector<16xi32>], vector<16xf32>,
    %mul3A_212 = arith.mulf %gather3A_209, %gather3A_211 : vector<16xf32>
    %sub3A_213 = arith.subf %mul3A_212, %gather3A_210 : vector<16xf32>
    %mul3A_214 = arith.mulf %sub3A_213, %sub3A_213 : vector<16xf32>
    %add3A_215 = arith.addf %broadcast_in_dim3A_202, %mul3A_214 : vector<16xf32>
    %scan3A_216 = arith.constant 1 : i32
    %swap3A_217 = arith.constant 9968 : index
    %swap3A_218 = tpu.vector_load %arg14[%swap3A_217] {strides = array<i32>} : memref<10000xf32, #tpu.memory_space<vmem>>, vector<16xf32>,
    tpu.vector_store %arg14[%swap3A_217], %add3A_215 {strides = array<i32>} : memref<10000xf32, #tpu.memory_space<vmem>>, vector<16xf32>,
    %add3A_219 = arith.constant 64 : i32
    %add3A_220 = vector.broadcast %add3A_219 : i32 to vector<16xi32>
    %add3A_221 = arith.addi %iota3A, %add3A_220 : vector<16xi32>
    %get3A_222 = arith.constant 0 : i32
    %get3A_223 = arith.index_cast %get3A_222 : i32 to index
    %get3A_224 = arith.constant 64 : index
    %get3A_225 = tpu.vector_load %arg13[%get3A_223, %get3A_224] {strides = array<i32>} : memref<2x80xi32, #tpu.memory_space<vmem>>, vector<16xi32>,
    %broadcast_in_dim3A_226 = arith.constant 0.000000e+00 : f32
    %broadcast_in_dim3A_227 = vector.broadcast %broadcast_in_dim3A_226 : f32 to vector<16xf32>
    %scan3A_228 = arith.constant 0 : i32
    %scan3A_229 = arith.constant 0 : i32
    %scan3A_230 = arith.addi %scan3A_228, %scan3A_229 : i32
    %scan3A_231 = arith.constant 0 : i32
    %scan3A_232 = arith.addi %scan3A_228, %scan3A_231 : i32
    %broadcast_in_dim3A_233 = vector.broadcast %scan3A_232 : i32 to vector<16xi32>
    %gather3A_234 = tpu.vector_load_idx %arg9[%broadcast_in_dim3A_122, %add3A_221, %broadcast_in_dim3A_233] : memref<2x80x128xf32, #tpu.memory_space<vmem>>[vector<16xi32>, vector<16xi32>, vector<16xi32>], vector<16xf32>,
    %gather3A_235 = tpu.vector_load_idx %arg10[%broadcast_in_dim3A_122, %add3A_221, %broadcast_in_dim3A_233] : memref<2x80x128xf32, #tpu.memory_space<vmem>>[vector<16xi32>, vector<16xi32>, vector<16xi32>], vector<16xf32>,
    %gather3A_236 = tpu.vector_load_idx %arg8[%get3A_225, %broadcast_in_dim3A_233] : memref<500x128xf32, #tpu.memory_space<vmem>>[vector<16xi32>, vector<16xi32>], vector<16xf32>,
    %mul3A_237 = arith.mulf %gather3A_234, %gather3A_236 : vector<16xf32>
    %sub3A_238 = arith.subf %mul3A_237, %gather3A_235 : vector<16xf32>
    %mul3A_239 = arith.mulf %sub3A_238, %sub3A_238 : vector<16xf32>
    %add3A_240 = arith.addf %broadcast_in_dim3A_227, %mul3A_239 : vector<16xf32>
    %scan3A_241 = arith.constant 1 : i32
    %swap3A_242 = arith.constant 9984 : index
    %swap3A_243 = tpu.vector_load %arg14[%swap3A_242] {strides = array<i32>} : memref<10000xf32, #tpu.memory_space<vmem>>, vector<16xf32>,
    tpu.vector_store %arg14[%swap3A_242], %add3A_240 {strides = array<i32>} : memref<10000xf32, #tpu.memory_space<vmem>>, vector<16xf32>,
    %scan3A_244 = arith.constant 0 : i32
    %scan3A_245 = arith.constant 0 : i32
    %scan3A_246 = arith.constant 625 : i32
    %scan3A_247 = arith.addi %scan3A_245, %scan3A_246 : i32
    %scan3A_248 = arith.constant 1 : i32
    scf.for %scan3A_250 = %scan3A_245 to %scan3A_247 step %scan3A_248  : i32 {
      %mul3A_251 = arith.constant 16 : i32
      %mul3A_252 = arith.muli %scan3A_250, %mul3A_251 : i32
      %get3A_253 = arith.index_cast %mul3A_252 : i32 to index
      %get3A_254 = tpu.vector_load %arg14[%get3A_253] {strides = array<i32>} : memref<10000xf32, #tpu.memory_space<vmem>>, vector<16xf32>,
      %bitcast_convert_type3A = tpu.bitcast %get3A_254 : vector<16xf32> -> vector<16xi32>
      %shift_right_logical3A = arith.constant 1 : i32
      %shift_right_logical3A_255 = vector.broadcast %shift_right_logical3A : i32 to vector<16xi32>
      %shift_right_logical3A_256 = arith.shrui %bitcast_convert_type3A, %shift_right_logical3A_255 : vector<16xi32>
      %sub3A_257 = arith.constant 1597463007 : i32
      %sub3A_258 = vector.broadcast %sub3A_257 : i32 to vector<16xi32>
      %sub3A_259 = arith.subi %sub3A_258, %shift_right_logical3A_256 : vector<16xi32>
      %bitcast_convert_type3A_260 = tpu.bitcast %sub3A_259 : vector<16xi32> -> vector<16xf32>
      %mul3A_261 = arith.constant 5.000000e-01 : f32
      %mul3A_262 = vector.broadcast %mul3A_261 : f32 to vector<16xf32>
      %mul3A_263 = arith.mulf %mul3A_262, %get3A_254 : vector<16xf32>
      %mul3A_264 = arith.mulf %mul3A_263, %bitcast_convert_type3A_260 : vector<16xf32>
      %mul3A_265 = arith.mulf %mul3A_264, %bitcast_convert_type3A_260 : vector<16xf32>
      %sub3A_266 = arith.constant 1.500000e+00 : f32
      %sub3A_267 = vector.broadcast %sub3A_266 : f32 to vector<16xf32>
      %sub3A_268 = arith.subf %sub3A_267, %mul3A_265 : vector<16xf32>
      %mul3A_269 = arith.mulf %bitcast_convert_type3A_260, %sub3A_268 : vector<16xf32>
      %mul3A_270 = arith.constant 5.000000e-01 : f32
      %mul3A_271 = vector.broadcast %mul3A_270 : f32 to vector<16xf32>
      %mul3A_272 = arith.mulf %mul3A_271, %get3A_254 : vector<16xf32>
      %mul3A_273 = arith.mulf %mul3A_272, %mul3A_269 : vector<16xf32>
      %mul3A_274 = arith.mulf %mul3A_273, %mul3A_269 : vector<16xf32>
      %sub3A_275 = arith.constant 1.500000e+00 : f32
      %sub3A_276 = vector.broadcast %sub3A_275 : f32 to vector<16xf32>
      %sub3A_277 = arith.subf %sub3A_276, %mul3A_274 : vector<16xf32>
      %mul3A_278 = arith.mulf %mul3A_269, %sub3A_277 : vector<16xf32>
      %mul3A_279 = arith.constant 5.000000e-01 : f32
      %mul3A_280 = vector.broadcast %mul3A_279 : f32 to vector<16xf32>
      %mul3A_281 = arith.mulf %mul3A_280, %get3A_254 : vector<16xf32>
      %mul3A_282 = arith.mulf %mul3A_281, %mul3A_278 : vector<16xf32>
      %mul3A_283 = arith.mulf %mul3A_282, %mul3A_278 : vector<16xf32>
      %sub3A_284 = arith.constant 1.500000e+00 : f32
      %sub3A_285 = vector.broadcast %sub3A_284 : f32 to vector<16xf32>
      %sub3A_286 = arith.subf %sub3A_285, %mul3A_283 : vector<16xf32>
      %mul3A_287 = arith.mulf %mul3A_278, %sub3A_286 : vector<16xf32>
      %gt3A = arith.constant 0.000000e+00 : f32
      %gt3A_288 = vector.broadcast %gt3A : f32 to vector<16xf32>
      %gt3A_289 = arith.cmpf ogt, %get3A_254, %gt3A_288 : vector<16xf32>
      %mul3A_290 = arith.mulf %get3A_254, %mul3A_287 : vector<16xf32>
      %jit3A = arith.constant 0.000000e+00 : f32
      %broadcast_in_dim3A_291 = vector.broadcast %jit3A : f32 to vector<16xf32>
      %select_n3A = arith.select %gt3A_289, %mul3A_290, %broadcast_in_dim3A_291 : vector<16xi1>, vector<16xf32>
      %swap3A_292 = arith.index_cast %mul3A_252 : i32 to index
      %swap3A_293 = tpu.vector_load %arg14[%swap3A_292] {strides = array<i32>} : memref<10000xf32, #tpu.memory_space<vmem>>, vector<16xf32>,
      tpu.vector_store %arg14[%swap3A_292], %select_n3A {strides = array<i32>} : memref<10000xf32, #tpu.memory_space<vmem>>, vector<16xf32>,
    }
    %scan3A_249 = arith.constant 625 : i32
    "tpu.region"() ({
      %run_scoped3A_250 = tpu.sem_alloc : memref<!tpu.dma_semaphore, #tpu.memory_space<semaphore_mem>>
      %dma_start3A_251 = tpu.memref_slice %arg7[%mul3A_2] : memref<320000xf32, #tpu.memory_space<hbm>> -> memref<10000xf32, #tpu.memory_space<hbm>>
      %dma_start3A_252 = tpu.memref_slice %arg7[%mul3A_2] : memref<320000xf32, #tpu.memory_space<hbm>> -> memref<10000xf32, #tpu.memory_space<hbm>>
      tpu.enqueue_dma source(%arg14 : memref<10000xf32, #tpu.memory_space<vmem>>) target(%dma_start3A_252 : memref<10000xf32, #tpu.memory_space<hbm>>) target_semaphore(%run_scoped3A_250 : memref<!tpu.dma_semaphore, #tpu.memory_space<semaphore_mem>>)
      %dma_wait3A_253 = tpu.memref_slice %arg7[%mul3A_2] : memref<320000xf32, #tpu.memory_space<hbm>> -> memref<10000xf32, #tpu.memory_space<hbm>>
      %dma_wait3A_254 = tpu.memref_slice %arg7[%mul3A_2] : memref<320000xf32, #tpu.memory_space<hbm>> -> memref<10000xf32, #tpu.memory_space<hbm>>
      tpu.wait_dma2 semaphore(%run_scoped3A_250 : memref<!tpu.dma_semaphore, #tpu.memory_space<semaphore_mem>>) src(%arg14 : memref<10000xf32, #tpu.memory_space<vmem>>) dst(%dma_wait3A_254 : memref<10000xf32, #tpu.memory_space<hbm>>)
      tpu.yield
    }) : () -> ()
    return
  }
}

</mosaic_0001>

<sc_bundles>
// kernel: kernel.3.cloned.1.call-start
scs
__scs_entry_jumppad:
0x0: {  	(pc) =	sbr.rel $0x88, $3  }
0x1: {  	(tag) =	ssettag $0x0;
	lr =	simm.s32 $0x1  }
0x2: {  	[smem:$0x3F9D] =	sst lr;
	_ =	strace $0xD0000000  }
0x3: {  	_ = 	snop  }
0x4: {  	_ = 	snop  }
0x5: {  	_ = 	snop  }
0x6: {  	_ = 	snop  }
0x7: {  	_ = 	snop  }
__scs_overlays_trampoline_lowered:
0x8: {  	[smem:$0x3FAC] =	sst s0  }
0x9: {  	[smem:$0x3FAD] =	sst s1  }
0xa: {  	[smem:$0x3FAE] =	sst s2  }
0xb: {  	[smem:$0x3FAF] =	sst s3  }
0xc: {  	[smem:$0x3FB0] =	sst s4  }
0xd: {  	[smem:$0x3FB1] =	sst s5  }
0xe: {  	[smem:$0x3FB2] =	sst s6  }
0xf: {  	[smem:$0x3FB3] =	sst s7  }
0x10: {  	[smem:$0x3FB4] =	sst s8  }
0x11: {  	[smem:$0x3FB5] =	sst s9;
	s0 =	simm.s32 @!p0 $0x0  }
0x12: {  	s1 =	sld [smem:$0x3F9B];
	s0 =	simm.s32 @p0 $0x1  }
0x13: {  	[smem:$0x3FB6] =	sst s0;
	s0 =	simm.s32 @!p1 $0x0  }
0x14: {  	s2 =	sld [smem:$0x3F9A];
	s0 =	simm.s32 @p1 $0x1  }
0x15: {  	[smem:$0x3FB7] =	sst s0;
	s0 =	simm.s32 @!p2 $0x0  }
0x16: {  	s3 =	sld [smem:$0x3FDB];
	s0 =	simm.s32 @p2 $0x1  }
0x17: {  	s4 =	simm.s32 $0x1BF5;
	[smem:$0x3FB9] =	sst s0  }
0x18: {  	s0 =	sld [smem:$0x3F9C];
	_ =	swait.ge [sflag:s4], $0x0  }
0x19: {  	s7 =	sld [smem:$0x3F9D]  }
0x1a: {  	s8 =	sadd.s32 $0xFFFFE003, lr  }
0x1b: {  	s9 =	sadd.s32 $0xFFFFFEF7, lr;
	s5 =	simm.s32 $0xFFFFFFFF;
	p2 =	slt.u32 s8, $0xFFFFF086  }
0x1c: {  	p1 =	slt.u32 s9, $0xF7A;
	s5 =	simm.s32 @!p2 $0x0  }
0x1d: {  	s5 =	simm.s32 @p1 $0x1;
	p0 =	seq.s32 s7, s2  }
0x1e: {  	s7 =	smul.u32 @!p0 $0xF7A, s2;
	p2 =	seq.s32 @!p0 s5, $0x0  }
0x1f: {  	s9 =	smul.u32 $0xF7A, s1;
	s8 =	simm.s32 @!p0 $0x1BF5;
	p2 =	por !p2, p0  }
0x20: {  	[sflag:s8] =	ssyncset.s32 @!p0 $0xFFFFF086;
	s6 =	sadd.s32 @!p0 s3, s7;
	s7 =	simm.s32 @!p0 $0x108  }
0x21: {  	s3 =	sadd.s32 s3, s9;
	s6 =	sadd.s32 @!p0 $0x88, s6;
	s7 =	simm.s32 @p2 $0x1082  }
0x22: {  	[simem:s7], [sflag:s8] =	dma.local @!p0 [hbm:s6], $0xF7A  }
0x23: {  	s9 =	sor.u32 $0xD0000000, s2;
	s6 =	simm.s32 $0x108;
	_ =	swait.ge @!p0 [sflag:s8], $0x0  }
0x24: {  	s3 =	sadd.s32 $0x88, s3;
	s6 =	simm.s32 @!p1 $0x1082;
	[sflag:s4] =	ssyncset.s32 $0xFFFFF086  }
0x25: {  	[simem:s6], [sflag:s4] =	dma.local [hbm:s3], $0xF7A  }
0x26: {  	[smem:$0x3F9D] =	sst s1;
	(tag) =	ssettag s2;
	_ =	strace s9  }
0x27: {  	s1 =	sld [smem:$0x3FAD]  }
0x28: {  	s2 =	sld [smem:$0x3FAE]  }
0x29: {  	s4 =	sld [smem:$0x3FB0]  }
0x2a: {  	p0 =	seq.s32 s5, $0x0;
	s5 =	sld [smem:$0x3FB1]  }
0x2b: {  	s6 =	sld [smem:$0x3FB2]  }
0x2c: {  	s7 =	sld [smem:$0x3FB3]  }
0x2d: {  	s3 =	simm.s32 $0x108;
	s8 =	sld [smem:$0x3FB4]  }
0x2e: {  	s3 =	simm.s32 @!p0 $0x1082;
	s9 =	sld [smem:$0x3FB5]  }
0x2f: {  	lr =	sadd.s32 s0, s3;
	s0 =	sld [smem:$0x3FAC]  }
0x30: {  	s3 =	sld [smem:$0x3FAF]  }
0x31: {  	[smem:$0x3FB8] =	sst s10  }
0x32: {  	s10 =	sld [smem:$0x3FB6];
	_ =	sdelay $0x3  }
0x33: {  	p0 =	seq.s32 s10, $0x1;
	s10 =	sld [smem:$0x3FB8];
	_ =	sdelay $0x3  }
0x34: {  	[smem:$0x3FB8] =	sst s10  }
0x35: {  	s10 =	sld [smem:$0x3FB7];
	_ =	sdelay $0x3  }
0x36: {  	p1 =	seq.s32 s10, $0x1;
	s10 =	sld [smem:$0x3FB8];
	_ =	sdelay $0x3  }
0x37: {  	[smem:$0x3FB8] =	sst s10  }
0x38: {  	s10 =	sld [smem:$0x3FB9]  }
0x39: {  	_ = 	snop;
	(pc) =	sbr.ind lr, $3  }
0x3a: {  	_ = 	snop  }
0x3b: {  	_ = 	snop  }
0x3c: {  	p2 =	seq.s32 s10, $0x1;
	s10 =	sld [smem:$0x3FB8]  }
0x3d: {  	_ =	shalt  }
0x3e: {  	_ =	shalt  }
0x3f: {  	_ =	shalt  }
0x40: {  	_ =	shalt  }
0x41: {  	_ =	shalt  }
0x42: {  	_ =	shalt  }
0x43: {  	_ =	shalt  }
0x44: {  	_ =	shalt  }
0x45: {  	_ =	shalt  }
0x46: {  	_ =	shalt  }
0x47: {  	_ =	shalt  }
0x48: {  	_ =	shalt  }
0x49: {  	_ =	shalt  }
0x4a: {  	_ =	shalt  }
0x4b: {  	_ =	shalt  }
0x4c: {  	_ =	shalt  }
0x4d: {  	_ =	shalt  }
0x4e: {  	_ =	shalt  }
0x4f: {  	_ =	shalt  }
0x50: {  	_ =	shalt  }
0x51: {  	_ =	shalt  }
0x52: {  	_ =	shalt  }
0x53: {  	_ =	shalt  }
0x54: {  	_ =	shalt  }
0x55: {  	_ =	shalt  }
0x56: {  	_ =	shalt  }
0x57: {  	_ =	shalt  }
0x58: {  	_ =	shalt  }
0x59: {  	_ =	shalt  }
0x5a: {  	_ =	shalt  }
0x5b: {  	_ =	shalt  }
0x5c: {  	_ =	shalt  }
0x5d: {  	_ =	shalt  }
0x5e: {  	_ =	shalt  }
0x5f: {  	_ =	shalt  }
0x60: {  	_ =	shalt  }
0x61: {  	_ =	shalt  }
0x62: {  	_ =	shalt  }
0x63: {  	_ =	shalt  }
0x64: {  	_ =	shalt  }
0x65: {  	_ =	shalt  }
0x66: {  	_ =	shalt  }
0x67: {  	_ =	shalt  }
0x68: {  	_ =	shalt  }
0x69: {  	_ =	shalt  }
0x6a: {  	_ =	shalt  }
0x6b: {  	_ =	shalt  }
0x6c: {  	_ =	shalt  }
0x6d: {  	_ =	shalt  }
0x6e: {  	_ =	shalt  }
0x6f: {  	_ =	shalt  }
0x70: {  	_ =	shalt  }
0x71: {  	_ =	shalt  }
0x72: {  	_ =	shalt  }
0x73: {  	_ =	shalt  }
0x74: {  	_ =	shalt  }
0x75: {  	_ =	shalt  }
0x76: {  	_ =	shalt  }
0x77: {  	_ =	shalt  }
0x78: {  	_ =	shalt  }
0x79: {  	_ =	shalt  }
0x7a: {  	_ =	shalt  }
0x7b: {  	_ =	shalt  }
0x7c: {  	_ =	shalt  }
0x7d: {  	_ =	shalt  }
0x7e: {  	_ =	shalt  }
0x7f: {  	_ =	shalt  }
0x80: {  	_ =	shalt  }
0x81: {  	_ =	shalt  }
0x82: {  	_ =	shalt  }
0x83: {  	_ =	shalt  }
0x84: {  	_ =	shalt  }
0x85: {  	_ =	shalt  }
0x86: {  	_ =	shalt  }
0x87: {  	_ =	shalt  }
.Lfunc_end0:
.L_simem_size_0:
called_computation_lowered:
.L_overlay_start_0:
0x88: {  	s2 =	sld [smem:$0x3FD9]  }
0x89: {  	s3 =	sld [smem:$0x3FFE];
	_ =	sdelay $0x1  }
0x8a: {  	s1 =	srdreg.scid  }
0x8b: {  	s0 =	sand.u32 $0x1, s1  }
0x8c: {  	s17 =	sshll.u32 s0, $0xA;
	s2 =	sadd.s32 s3, s2  }
0x8d: {  	s2 =	sadd.s32 s2, s17  }
0x8e: {  	[smem:$0x3FC4] =	sst s2  }
0x8f: {  	_ = 	snop  }
0x90: {  	s2 =	sld [smem:$0x3FC9]  }
0x91: {  	s18 =	sld [smem:$0x3FC8]  }
0x92: {  	s4 =	sld [smem:$0x3FC6]  }
0x93: {  	s5 =	sld [smem:$0x3FD0];
	(tm) =	ssettm $0x1  }
0x94: {  	s6 =	sld [smem:$0x3FFB];
	_ =	sdelay $0x3  }
0x95: {  	_ =	strace s6  }
0x96: {  	s6 =	sld [smem:$0x3FFC];
	_ =	sdelay $0x3  }
0x97: {  	_ =	strace s6  }
0x98: {  	s6 =	sld [smem:$0x3FFD];
	_ =	sdelay $0x3  }
0x99: {  	_ =	strace s6  }
0x9a: {  	_ =	strace $0x8FFFFFFF  }
0x9b: {  	s19 =	sld [smem:$0x3FDB];
	_ =	sdelay $0x1  }
0x9c: {  	s7 =	simm.s32 $_scs_section_size  }
0x9d: {  	s8 =	simm.s32 $_size__tile_overlayer_lowered;
	s9 =	simm.s32 $_tile_overlayer_lowered  }
0x9e: {  	s22 =	simm.s32 $0x1BFF;
	s21 =	sshll.u32 s9, $0x1;
	s6 =	sadd.s32 s7, s19  }
0x9f: {  	s10 =	simm.s32 $0x0;
	s20 =	sshll.u32 s8, $0x1;
	s8 =	sadd.s32 s21, s6  }
0xa0: {  	[timem:s10], [sflag:s22] =	dma.local [hbm:s8], s20  }
0xa1: {  	_ =	swait.ge [sflag:s22], s20  }
0xa2: {  	s7 =	ssub.s32 $0x0, s20;
	[sflag:s22] =	ssyncset.done $0x0  }
0xa3: {  	[sflag:s22] =	ssyncadd.s32 s7;
	_ =	sdelay $0x1  }
0xa4: {  	s23 =	simm.s32 $0x1B8B  }
0xa5: {  	_ =	swait.ge [sflag:s23], $0x1  }
0xa6: {  	[sflag:s23] =	ssyncset.done $0x0  }
0xa7: {  	s25 =	simm.s32 $0x1B8E;
	s24 =	sld [smem:$0x3FFE];
	[sflag:s23] =	ssyncadd.s32 $0xFFFFFFFF  }
0xa8: {  	s26 =	simm.s32 $execute0_lowered;
	[smem:$0x3FD2] =	sst s25  }
0xa9: {  	s8 =	sshll.u32 s26, $0x1;
	_ =	strace $0x80000046;
	[dreg:$0x1] =	wrdreg $0xFFFFFFFF  }
0xaa: {  	s28 =	simm.s32 $_size_execute0_lowered;
	s6 =	sadd.s32 s6, s8;
	[dreg:$0x0] =	wrdreg $0x0  }
0xab: {  	s8 =	sshll.u32 s28, $0x1;
	[dreg:$0x2] =	wrdreg s6  }
0xac: {  	[dreg:$0x3] =	wrdreg s8  }
0xad: {  	[dreg:$0x4] =	wrdreg $0xC0  }
0xae: {  	_ =	task [dreg:s10], $0x5FFFF  }
0xaf: {  	[dreg:$0x1] =	wrdreg $0xFFFFFFFF  }
0xb0: {  	[dreg:$0x0] =	wrdreg $0x60  }
0xb1: {  	[dreg:$0x2] =	wrdreg s2  }
0xb2: {  	[dreg:$0x3] =	wrdreg s18  }
0xb3: {  	[dreg:$0x4] =	wrdreg s24  }
0xb4: {  	[dreg:$0x5] =	wrdreg s4  }
0xb5: {  	[dreg:$0x6] =	wrdreg s5  }
0xb6: {  	[dreg:$0x7] =	wrdreg $0x9  }
0xb7: {  	_ =	task.clear_ibuf [dreg:s10], $0x8FFFF;
	_ =	strace $0x90000046  }
0xb8: {  	s29 =	simm.s32 $0x9;
	_ =	strace $0x80000048  }
0xb9: {  	_ =	swait.ge [sflag:s29], $0x1  }
0xba: {  	[sflag:s29] =	ssyncadd.s32 $0xFFFFFFFF  }
0xbb: {  	_ =	strace $0x90000048  }
0xbc: {  	_ =	sfence  }
0xbd: {  	s30 =	sld [smem:$0x0];
	_ =	sdelay $0x2  }
0xbe: {  	s31 =	sshll.u32 s1, $0xD;
	s1 =	sshrl.u32 s1, $0x2  }
0xbf: {  	s3 =	sand.u32 $0x4000, s31;
	s1 =	sadd.s32 s1, s30  }
0xc0: {  	s0 =	sor.u32 s3, s0;
	s1 =	sshll.u32 s1, $0x11  }
0xc1: {  	s0 =	sor.u32 s1, s0  }
0xc2: {  	s0 =	sadd.s32 $0x8F2B, s0  }
0xc3: {  	[sflag:s0] =	ssyncadd.remote.s32 $0x1  }
0xc4: {  	_ =	sfence.sel $0xFFFF  }
0xc5: {  	[dreg:$0x0] =	wrdreg $0xFFFFFFFF;
	(pc) =	sbr.abs _section_cstart, $3  }
0xc6: {  	[dreg:$0x1] =	wrdreg $0xFFFFFFFF  }
0xc7: {  	_ =	task.clear_ibuf [dreg:s10], $0x2FFFF;
	_ =	strace $0x9FFFFFFF  }
0xc8: {  	(tm) =	ssettm $0x7FFFFFFF  }
0xc9: {  	_ =	shalt  }
tec
execute0_lowered:
.L_overlay_start_1:
0x0: {  	(tag) =	ssettag $0x1  }
0x1: {  	s1 =	rddreg [dreg:$0x0]  }
0x2: {  	s3 =	rddreg [dreg:$0x2]  }
0x3: {  	s5 =	rddreg [dreg:$0x3]  }
0x4: {  	s0 =	rddreg [dreg:$0x4]  }
0x5: {  	s2 =	srdreg.scid;
	s10 =	stileid.u32  }
0x6: {  	s6 =	simm.s32 $0x0;
	s28 =	simm.s32 $0x19C80;
	s29 =	simm.s32 $0x19D80  }
0x7: {  	s30 =	simm.s32 $0x19E80;
	s31 =	simm.s32 $0x12400;
	s13 =	simm.s32 $0x0  }
0x8: {  	s2 =	sand.u32 $0x1, s2;
	s4 =	sshll.u32 s10, $0x1;
	s10 =	smul.u32 $0x4E20, s10  }
0x9: {  	s4 =	sor.u32 s2, s4;
	s8 =	ssub.s32 $0x2, s2;
	s2 =	smul.u32 $0x2710, s2  }
0xa: {  	[smem:$0x7FF] =	sst s6;
	s4 =	smul.u32 $0x2710, s4;
	s9 =	sshrl.u32 s8, $0x1  }
0xb: {  	s7 =	sadd.s32 $0x9E00, s3;
	_ =	strace $0x80000047;
	s8 =	ssub.s32 s8, s9  }
0xc: {  	s2 =	sadd.s32 s2, s10;
	s4 =	sshrl.u32 s4, $0x3;
	s23 =	smax.u32 s8, $0x1  }
0xd: {  	s10 =	simm.s32 $0x6;
	s17 =	sadd.s32 s7, s4;
	[dreg:$0xd] =	wrdreg s23  }
0xe: {  	s22 =	sadd.s32 $0xF0, s2;
	s18 =	sadd.s32 s3, s4;
	[dreg:$0x6] =	wrdreg s17  }
0xf: {  	s8 =	simm.s32 $0x3;
	s11 =	sadd.s32 s5, s4;
	[dreg:$0x7] =	wrdreg s18  }
0x10: {  	s19 =	sadd.s32 $0xA, s4;
	s0 =	sadd.s32 s0, s4;
	[dreg:$0x8] =	wrdreg s11  }
0x11: {  	s24 =	sshrl.u32 s22, $0x3;
	s20 =	sadd.s32 s7, s19;
	[dreg:$0xc] =	wrdreg s0  }
0x12: {  	s22 =	simm.s32 $0x19D00;
	s21 =	sadd.s32 s3, s19;
	[dreg:$0x9] =	wrdreg s20  }
0x13: {  	s23 =	simm.s32 $0x19E00;
	s9 =	sadd.s32 s5, s19;
	[dreg:$0xa] =	wrdreg s21  }
0x14: {  	v0 =	vlaneseq.u32;
	s4 =	simm.s32 $0x1;
	s25 =	sadd.s32 s24, s5;
	[dreg:$0xb] =	wrdreg s9  }
0x15: {  	v0 =	vmul.u32 $0x80, v0;
	s26 =	sadd.s32 s24, s3;
	s0 =	sadd.s32 s24, s7;
	[dreg:$0xe] =	wrdreg s25  }
0x16: {  	s19 =	sadd.s32 $0xA0, s2;
	s24 =	simm.s32 $0x50;
	[dreg:$0xf] =	wrdreg s26  }
0x17: {  	v1 =	vor.u32 $0x800, v0;
	v2 =	vor.u32 $0x1000, v0;
	v3 =	vor.u32 $0x1800, v0;
	s2 =	simm.s32 $0x5;
	s11 =	simm.s32 $0x4;
	[dreg:$0x10] =	wrdreg s0  }
0x18: {  	v4 =	vor.u32 $0x2000, v0;
	v5 =	vor.u32 $0x2800, v0;
	v6 =	vor.u32 $0x3000, v0;
	s20 =	simm.s32 $0x7;
	s21 =	simm.s32 $0x19C00;
	s25 =	simm.s32 $0xFC00  }
0x19: {  	v7 =	vor.u32 $0x3800, v0;
	v8 =	vor.u32 $0x4000, v0;
	v9 =	vor.u32 $0x4800, v0;
	s26 =	simm.s32 $0x14C00;
	s0 =	simm.s32 $0x17400;
	s9 =	simm.s32 $0x2  }
.LBB2_1:
0x1a: {  	[dreg:$0x11] =	wrdreg s13  }
0x1b: {  	s12 =	rddreg [dreg:$0x1]  }
0x1c: {  	[tilespmem:s6], [sflag:$0x7] =	stream.linear.gather [hbm4b:s12+s6], $0xFA00, $0x38;
	[tilespmem:$0x1C680] =	vst v63  }
0x1d: {  	_ =	swait.ge [sflag:s20], $0xFA00  }
0x1e: {  	[sflag:s20] =	ssyncset.done $0x0  }
0x1f: {  	s13 =	rddreg [dreg:$0x6];
	[sflag:s20] =	ssyncadd.s32 $0xFFFF0600  }
0x20: {  	[tilespmem:s21], [sflag:$0x7] =	stream.linear.gather [hbm4b:s13+s6], $0x50, $0x38;
	[tilespmem:$0x1C680] =	vst v63  }
0x21: {  	_ =	swait.ge [sflag:s20], $0x50  }
0x22: {  	[sflag:s20] =	ssyncset.done $0x0  }
0x23: {  	s14 =	rddreg [dreg:$0x7];
	[sflag:s20] =	ssyncadd.s32 $0xFFFFFFB0  }
0x24: {  	[tilespmem:s22], [sflag:$0x7] =	stream.linear.gather [hbm4b:s14+s6], $0x50, $0x38;
	[tilespmem:$0x1C680] =	vst v63  }
0x25: {  	_ =	swait.ge [sflag:s20], $0x50  }
0x26: {  	[sflag:s20] =	ssyncset.done $0x0  }
0x27: {  	s15 =	rddreg [dreg:$0x8];
	[sflag:s20] =	ssyncadd.s32 $0xFFFFFFB0  }
0x28: {  	[tilespmem:s23], [sflag:$0x5] =	stream.linear.gather [hbm4b:s15+s6], $0x50, $0x38;
	[tilespmem:$0x1C680] =	vst v63  }
0x29: {  	_ = 	snop  }
0x2a: {  	[tilespmem:s25], [sflag:$0x1] =	stream.indirect.gather [hbm4b:s1+s24], $0x80, s21, s24, $0xb8;
	[tilespmem:$0x1C680] =	vst v63  }
0x2b: {  	_ = 	snop  }
0x2c: {  	[tilespmem:s26], [sflag:$0x1] =	stream.indirect.gather [hbm4b:s1+s24], $0x80, s22, s24, $0xb8;
	[tilespmem:$0x1C680] =	vst v63  }
0x2d: {  	s16 =	rddreg [dreg:$0x9]  }
0x2e: {  	[tilespmem:s28], [sflag:$0x7] =	stream.linear.gather [hbm4b:s16+s6], $0x50, $0x38;
	[tilespmem:$0x1C680] =	vst v63  }
0x2f: {  	_ =	swait.ge [sflag:s20], $0x50  }
0x30: {  	[sflag:s20] =	ssyncset.done $0x0  }
0x31: {  	s17 =	rddreg [dreg:$0xa];
	[sflag:s20] =	ssyncadd.s32 $0xFFFFFFB0  }
0x32: {  	[tilespmem:s29], [sflag:$0x7] =	stream.linear.gather [hbm4b:s17+s6], $0x50, $0x38;
	[tilespmem:$0x1C680] =	vst v63  }
0x33: {  	_ =	swait.ge [sflag:s20], $0x50  }
0x34: {  	[sflag:s20] =	ssyncset.done $0x0;
	s18 =	rddreg [dreg:$0xb]  }
0x35: {  	s17 =	rddreg [dreg:$0xf];
	[sflag:s20] =	ssyncadd.s32 $0xFFFFFFB0  }
0x36: {  	[tilespmem:s30], [sflag:$0x6] =	stream.linear.gather [hbm4b:s18+s6], $0x50, $0x38;
	[tilespmem:$0x1C680] =	vst v63  }
0x37: {  	s16 =	rddreg [dreg:$0xe]  }
0x38: {  	[tilespmem:s31], [sflag:$0x2] =	stream.indirect.gather [hbm4b:s1+s24], $0x80, s28, s24, $0xb8;
	[tilespmem:$0x1C680] =	vst v63  }
0x39: {  	s13 =	simm.s32 $0x19F50;
	s14 =	simm.s32 $0x0;
	s18 =	rddreg [dreg:$0x10]  }
0x3a: {  	[tilespmem:s0], [sflag:$0x2] =	stream.indirect.gather [hbm4b:s1+s24], $0x80, s29, s24, $0xb8;
	[tilespmem:$0x1C680] =	vst v63  }
.LBB2_2:
0x3b: {  	_ =	swait.ge [sflag:s4], $0x2800  }
0x3c: {  	[sflag:s4] =	ssyncset.done $0x0  }
0x3d: {  	[sflag:s4] =	ssyncadd.s32 $0xFFFFD800  }
0x3e: {  	s15 =	sadd.s32 s14, s19;
	_ =	swait.ge [sflag:s4], $0x2800  }
0x3f: {  	s15 =	sshrl.u32 s15, $0x3;
	[sflag:s4] =	ssyncset.done $0x0  }
0x40: {  	s12 =	sadd.s32 s7, s15;
	[sflag:s4] =	ssyncadd.s32 $0xFFFFD800  }
0x41: {  	[tilespmem:s21], [sflag:$0x3] =	stream.linear.gather [hbm4b:s12+s6], $0x50, $0x38;
	[tilespmem:$0x1C680] =	vst v63  }
0x42: {  	s12 =	sadd.s32 s3, s15  }
0x43: {  	[tilespmem:s22], [sflag:$0x3] =	stream.linear.gather [hbm4b:s12+s6], $0x50, $0x38;
	[tilespmem:$0x1C680] =	vst v63  }
0x44: {  	_ =	swait.ge [sflag:s2], $0x50  }
0x45: {  	[sflag:s2] =	ssyncset.done $0x0  }
0x46: {  	[sflag:s2] =	ssyncadd.s32 $0xFFFFFFB0  }
0x47: {  	v10 =	vld [tilespmem:$0x19E00];
	_ =	sdelay $0x4  }
0x48: {  	v10 =	vshll.u32 v10, $0x7;
	_ =	sdelay $0x3  }
0x49: {  	v11 =	vld.idx.msk [tilespmem:v0+s25+$0x0], $0xffff  }
0x4a: {  	v10 =	vld.idx.msk [tilespmem:v10+s6+$0x0], $0xffff;
	_ =	sdelay $0x1  }
0x4b: {  	v12 =	vld.idx.msk [tilespmem:v0+s26+$0x0], $0xffff;
	_ =	sdelay $0x2  }
0x4c: {  	v10 =	vmul.f32 v10, v11;
	_ =	sdelay $0x1  }
0x4d: {  	v10 =	vsub.f32 v10, v12;
	_ =	sdelay $0x1  }
0x4e: {  	v10 =	vmul.f32 v10, v10;
	_ =	sdelay $0x1  }
0x4f: {  	[tilespmem:s13+$0xFFFFFFB0] =	vst v10  }
0x50: {  	v10 =	vld [tilespmem:$0x19E10];
	_ =	sdelay $0x4  }
0x51: {  	v10 =	vshll.u32 v10, $0x7;
	_ =	sdelay $0x3  }
0x52: {  	v11 =	vld.idx.msk [tilespmem:v1+s25+$0x0], $0xffff  }
0x53: {  	v10 =	vld.idx.msk [tilespmem:v10+s6+$0x0], $0xffff;
	_ =	sdelay $0x1  }
0x54: {  	v55 =	vld.idx.msk [tilespmem:v1+s26+$0x0], $0xffff;
	_ =	sdelay $0x2  }
0x55: {  	v10 =	vmul.f32 v10, v11;
	_ =	sdelay $0x1  }
0x56: {  	v10 =	vsub.f32 v10, v55;
	_ =	sdelay $0x1  }
0x57: {  	v10 =	vmul.f32 v10, v10;
	_ =	sdelay $0x1  }
0x58: {  	[tilespmem:s13+$0xFFFFFFC0] =	vst v10  }
0x59: {  	v10 =	vld [tilespmem:$0x19E20];
	_ =	sdelay $0x4  }
0x5a: {  	v10 =	vshll.u32 v10, $0x7;
	_ =	sdelay $0x3  }
0x5b: {  	v11 =	vld.idx.msk [tilespmem:v2+s25+$0x0], $0xffff  }
0x5c: {  	v10 =	vld.idx.msk [tilespmem:v10+s6+$0x0], $0xffff;
	_ =	sdelay $0x1  }
0x5d: {  	v56 =	vld.idx.msk [tilespmem:v2+s26+$0x0], $0xffff;
	_ =	sdelay $0x2  }
0x5e: {  	v10 =	vmul.f32 v10, v11;
	_ =	sdelay $0x1  }
0x5f: {  	v10 =	vsub.f32 v10, v56;
	_ =	sdelay $0x1  }
0x60: {  	v10 =	vmul.f32 v10, v10;
	_ =	sdelay $0x1  }
0x61: {  	[tilespmem:s13+$0xFFFFFFD0] =	vst v10  }
0x62: {  	v10 =	vld [tilespmem:$0x19E30];
	_ =	sdelay $0x4  }
0x63: {  	v10 =	vshll.u32 v10, $0x7;
	_ =	sdelay $0x3  }
0x64: {  	v11 =	vld.idx.msk [tilespmem:v3+s25+$0x0], $0xffff  }
0x65: {  	v10 =	vld.idx.msk [tilespmem:v10+s6+$0x0], $0xffff;
	_ =	sdelay $0x1  }
0x66: {  	v57 =	vld.idx.msk [tilespmem:v3+s26+$0x0], $0xffff;
	_ =	sdelay $0x2  }
0x67: {  	v10 =	vmul.f32 v10, v11;
	_ =	sdelay $0x1  }
0x68: {  	v10 =	vsub.f32 v10, v57;
	_ =	sdelay $0x1  }
0x69: {  	v10 =	vmul.f32 v10, v10;
	_ =	sdelay $0x1  }
0x6a: {  	[tilespmem:s13+$0xFFFFFFE0] =	vst v10  }
0x6b: {  	v10 =	vld [tilespmem:$0x19E40];
	_ =	sdelay $0x4  }
0x6c: {  	v10 =	vshll.u32 v10, $0x7;
	_ =	sdelay $0x3  }
0x6d: {  	v11 =	vld.idx.msk [tilespmem:v4+s25+$0x0], $0xffff  }
0x6e: {  	v10 =	vld.idx.msk [tilespmem:v10+s6+$0x0], $0xffff;
	_ =	sdelay $0x1  }
0x6f: {  	v58 =	vld.idx.msk [tilespmem:v4+s26+$0x0], $0xffff;
	_ =	sdelay $0x2  }
0x70: {  	v10 =	vmul.f32 v10, v11;
	_ =	sdelay $0x1  }
0x71: {  	v10 =	vsub.f32 v10, v58;
	_ =	sdelay $0x1  }
0x72: {  	v10 =	vmul.f32 v10, v10;
	_ =	sdelay $0x1  }
0x73: {  	[tilespmem:s13+$0xFFFFFFF0] =	vst v10  }
0x74: {  	_ =	swait.ge [sflag:s8], $0x50  }
0x75: {  	[sflag:s8] =	ssyncset.done $0x0  }
0x76: {  	[sflag:s8] =	ssyncadd.s32 $0xFFFFFFB0  }
0x77: {  	_ =	swait.ge [sflag:s8], $0x50  }
0x78: {  	[sflag:s8] =	ssyncset.done $0x0  }
0x79: {  	[sflag:s8] =	ssyncadd.s32 $0xFFFFFFB0  }
0x7a: {  	[tilespmem:s25], [sflag:$0x1] =	stream.indirect.gather [hbm4b:s1+s24], $0x80, s21, s24, $0xb8;
	[tilespmem:$0x1C680] =	vst v63  }
0x7b: {  	_ = 	snop  }
0x7c: {  	[tilespmem:s26], [sflag:$0x1] =	stream.indirect.gather [hbm4b:s1+s24], $0x80, s22, s24, $0xb8;
	[tilespmem:$0x1C680] =	vst v63  }
0x7d: {  	s15 =	sadd.s32 s5, s15  }
0x7e: {  	[tilespmem:s23], [sflag:$0x5] =	stream.linear.gather [hbm4b:s15+s6], $0x50, $0x38;
	[tilespmem:$0x1C680] =	vst v63  }
0x7f: {  	_ =	swait.ge [sflag:s9], $0x2800  }
0x80: {  	[sflag:s9] =	ssyncset.done $0x0  }
0x81: {  	[sflag:s9] =	ssyncadd.s32 $0xFFFFD800  }
0x82: {  	_ =	swait.ge [sflag:s9], $0x2800  }
0x83: {  	p0 =	seq.s32 s14, $0x2620;
	[sflag:s9] =	ssyncset.done $0x0  }
0x84: {  	s12 =	simm.s32 @!p0 $0x0;
	s15 =	simm.s32 @!p0 $0x19C80;
	[sflag:s9] =	ssyncadd.s32 $0xFFFFD800  }
0x85: {  	[tilespmem:s15], [sflag:$0x4] =	stream.linear.gather @!p0 [hbm4b:s18+s12], $0x50, $0x38;
	[tilespmem:$0x1C680] =	vst v63  }
0x86: {  	s15 =	simm.s32 @!p0 $0x19D80  }
0x87: {  	[tilespmem:s15], [sflag:$0x4] =	stream.linear.gather @!p0 [hbm4b:s17+s12], $0x50, $0x38;
	[tilespmem:$0x1C680] =	vst v63  }
0x88: {  	_ =	swait.ge [sflag:s10], $0x50  }
0x89: {  	[sflag:s10] =	ssyncset.done $0x0  }
0x8a: {  	[sflag:s10] =	ssyncadd.s32 $0xFFFFFFB0  }
0x8b: {  	v10 =	vld [tilespmem:$0x19E80];
	_ =	sdelay $0x4  }
0x8c: {  	v10 =	vshll.u32 v10, $0x7;
	_ =	sdelay $0x3  }
0x8d: {  	v11 =	vld.idx.msk [tilespmem:v5+s25+$0x0], $0xffff  }
0x8e: {  	v10 =	vld.idx.msk [tilespmem:v10+s6+$0x0], $0xffff;
	_ =	sdelay $0x1  }
0x8f: {  	v59 =	vld.idx.msk [tilespmem:v5+s26+$0x0], $0xffff;
	_ =	sdelay $0x2  }
0x90: {  	v10 =	vmul.f32 v10, v11;
	_ =	sdelay $0x1  }
0x91: {  	v10 =	vsub.f32 v10, v59;
	_ =	sdelay $0x1  }
0x92: {  	v10 =	vmul.f32 v10, v10;
	_ =	sdelay $0x1  }
0x93: {  	[tilespmem:s13+$0x0] =	vst v10  }
0x94: {  	v10 =	vld [tilespmem:$0x19E90];
	_ =	sdelay $0x4  }
0x95: {  	v10 =	vshll.u32 v10, $0x7;
	_ =	sdelay $0x3  }
0x96: {  	v11 =	vld.idx.msk [tilespmem:v6+s25+$0x0], $0xffff  }
0x97: {  	v10 =	vld.idx.msk [tilespmem:v10+s6+$0x0], $0xffff;
	_ =	sdelay $0x1  }
0x98: {  	v60 =	vld.idx.msk [tilespmem:v6+s26+$0x0], $0xffff;
	_ =	sdelay $0x2  }
0x99: {  	v10 =	vmul.f32 v10, v11;
	_ =	sdelay $0x1  }
0x9a: {  	v10 =	vsub.f32 v10, v60;
	_ =	sdelay $0x1  }
0x9b: {  	v10 =	vmul.f32 v10, v10;
	_ =	sdelay $0x1  }
0x9c: {  	[tilespmem:s13+$0x10] =	vst v10  }
0x9d: {  	v10 =	vld [tilespmem:$0x19EA0];
	_ =	sdelay $0x4  }
0x9e: {  	v10 =	vshll.u32 v10, $0x7;
	_ =	sdelay $0x3  }
0x9f: {  	v11 =	vld.idx.msk [tilespmem:v7+s25+$0x0], $0xffff  }
0xa0: {  	v10 =	vld.idx.msk [tilespmem:v10+s6+$0x0], $0xffff;
	_ =	sdelay $0x1  }
0xa1: {  	v61 =	vld.idx.msk [tilespmem:v7+s26+$0x0], $0xffff;
	_ =	sdelay $0x2  }
0xa2: {  	v10 =	vmul.f32 v10, v11;
	_ =	sdelay $0x1  }
0xa3: {  	v10 =	vsub.f32 v10, v61;
	_ =	sdelay $0x1  }
0xa4: {  	v10 =	vmul.f32 v10, v10;
	_ =	sdelay $0x1  }
0xa5: {  	[tilespmem:s13+$0x20] =	vst v10  }
0xa6: {  	v10 =	vld [tilespmem:$0x19EB0];
	_ =	sdelay $0x4  }
0xa7: {  	v10 =	vshll.u32 v10, $0x7;
	_ =	sdelay $0x3  }
0xa8: {  	v11 =	vld.idx.msk [tilespmem:v8+s25+$0x0], $0xffff  }
0xa9: {  	v10 =	vld.idx.msk [tilespmem:v10+s6+$0x0], $0xffff;
	_ =	sdelay $0x1  }
0xaa: {  	v62 =	vld.idx.msk [tilespmem:v8+s26+$0x0], $0xffff;
	_ =	sdelay $0x2  }
0xab: {  	v10 =	vmul.f32 v10, v11;
	_ =	sdelay $0x1  }
0xac: {  	v10 =	vsub.f32 v10, v62;
	_ =	sdelay $0x1  }
0xad: {  	v10 =	vmul.f32 v10, v10  }
0xae: {  	s15 =	sand.u32 $0x3FE0, s14  }
0xaf: {  	[tilespmem:s15+$0x19F80] =	vst v10  }
0xb0: {  	v10 =	vld [tilespmem:$0x19EC0];
	_ =	sdelay $0x4  }
0xb1: {  	v10 =	vshll.u32 v10, $0x7;
	_ =	sdelay $0x3  }
0xb2: {  	v11 =	vld.idx.msk [tilespmem:v9+s25+$0x0], $0xffff  }
0xb3: {  	v10 =	vld.idx.msk [tilespmem:v10+s6+$0x0], $0xffff;
	_ =	sdelay $0x1  }
0xb4: {  	v63 =	vld.idx.msk [tilespmem:v9+s26+$0x0], $0xffff;
	_ =	sdelay $0x2  }
0xb5: {  	v10 =	vmul.f32 v10, v11;
	_ =	sdelay $0x1  }
.Ltmp0:
0xb6: {  	v10 =	vsub.f32 v10, v63;
	(pc) =	sbr.rel @p0 .LBB2_4-.Ltmp0, $3  }
0xb7: {  	_ = 	snop  }
0xb8: {  	v10 =	vmul.f32 v10, v10;
	_ =	sdelay $0x1  }
0xb9: {  	[tilespmem:s13+$0x40] =	vst v10  }
0xba: {  	_ =	swait.ge [sflag:s11], $0x50  }
0xbb: {  	[sflag:s11] =	ssyncset.done $0x0  }
0xbc: {  	[sflag:s11] =	ssyncadd.s32 $0xFFFFFFB0  }
0xbd: {  	_ =	swait.ge [sflag:s11], $0x50  }
0xbe: {  	[sflag:s11] =	ssyncset.done $0x0  }
0xbf: {  	[sflag:s11] =	ssyncadd.s32 $0xFFFFFFB0  }
0xc0: {  	[tilespmem:s31], [sflag:$0x2] =	stream.indirect.gather [hbm4b:s1+s24], $0x80, s28, s24, $0xb8;
	[tilespmem:$0x1C680] =	vst v63  }
.Ltmp1:
0xc1: {  	_ = 	snop;
	(pc) =	sbr.rel .LBB2_2-.Ltmp1, $4  }
0xc2: {  	[tilespmem:s0], [sflag:$0x2] =	stream.indirect.gather [hbm4b:s1+s24], $0x80, s29, s24, $0xb8;
	[tilespmem:$0x1C680] =	vst v63  }
0xc3: {  	s17 =	sadd.s32 $0x14, s17;
	s18 =	sadd.s32 $0x14, s18  }
0xc4: {  	[tilespmem:s30], [sflag:$0x6] =	stream.linear.gather [hbm4b:s16+s6], $0x50, $0x38;
	[tilespmem:$0x1C680] =	vst v63  }
0xc5: {  	s14 =	sadd.s32 $0xA0, s14;
	s13 =	sadd.s32 $0xA0, s13;
	s16 =	sadd.s32 $0x14, s16  }
.LBB2_4:
0xc6: {  	_ =	swait.ge [sflag:s4], $0x2800  }
0xc7: {  	[sflag:s4] =	ssyncset.done $0x0  }
0xc8: {  	[sflag:s4] =	ssyncadd.s32 $0xFFFFD800  }
0xc9: {  	_ =	swait.ge [sflag:s4], $0x2800  }
0xca: {  	[sflag:s4] =	ssyncset.done $0x0  }
0xcb: {  	[sflag:s4] =	ssyncadd.s32 $0xFFFFD800  }
0xcc: {  	_ =	swait.ge [sflag:s2], $0x50  }
0xcd: {  	[sflag:s2] =	ssyncset.done $0x0  }
0xce: {  	[sflag:s2] =	ssyncadd.s32 $0xFFFFFFB0  }
0xcf: {  	v10 =	vld [tilespmem:$0x19E00];
	_ =	sdelay $0x4  }
0xd0: {  	v10 =	vshll.u32 v10, $0x7;
	_ =	sdelay $0x3  }
0xd1: {  	s12 =	simm.s32 $0x0;
	v11 =	vld.idx.msk [tilespmem:v0+s25+$0x0], $0xffff  }
0xd2: {  	v10 =	vld.idx.msk [tilespmem:v10+s12+$0x0], $0xffff;
	_ =	sdelay $0x1  }
0xd3: {  	v12 =	vld.idx.msk [tilespmem:v0+s26+$0x0], $0xffff  }
0xd4: {  	v13 =	vld [tilespmem:$0x19E10];
	_ =	sdelay $0x1  }
0xd5: {  	v10 =	vmul.f32 v10, v11;
	_ =	sdelay $0x1  }
0xd6: {  	v10 =	vsub.f32 v10, v12  }
0xd7: {  	v11 =	vshll.u32 v13, $0x7  }
0xd8: {  	v10 =	vmul.f32 v10, v10;
	_ =	sdelay $0x1  }
0xd9: {  	[tilespmem:$0x1C5C0] =	vst v10  }
0xda: {  	v10 =	vld.idx.msk [tilespmem:v1+s25+$0x0], $0xffff  }
0xdb: {  	v11 =	vld.idx.msk [tilespmem:v11+s12+$0x0], $0xffff;
	_ =	sdelay $0x1  }
0xdc: {  	v57 =	vld.idx.msk [tilespmem:v1+s26+$0x0], $0xffff  }
0xdd: {  	v58 =	vld [tilespmem:$0x19E20];
	_ =	sdelay $0x1  }
0xde: {  	v10 =	vmul.f32 v11, v10;
	_ =	sdelay $0x1  }
0xdf: {  	v10 =	vsub.f32 v10, v57  }
0xe0: {  	v11 =	vshll.u32 v58, $0x7  }
0xe1: {  	v10 =	vmul.f32 v10, v10;
	_ =	sdelay $0x1  }
0xe2: {  	[tilespmem:$0x1C5D0] =	vst v10  }
0xe3: {  	v10 =	vld.idx.msk [tilespmem:v2+s25+$0x0], $0xffff  }
0xe4: {  	v11 =	vld.idx.msk [tilespmem:v11+s12+$0x0], $0xffff;
	_ =	sdelay $0x1  }
0xe5: {  	v59 =	vld.idx.msk [tilespmem:v2+s26+$0x0], $0xffff  }
0xe6: {  	v60 =	vld [tilespmem:$0x19E30];
	_ =	sdelay $0x1  }
0xe7: {  	v10 =	vmul.f32 v11, v10;
	_ =	sdelay $0x1  }
0xe8: {  	v10 =	vsub.f32 v10, v59  }
0xe9: {  	v11 =	vshll.u32 v60, $0x7  }
0xea: {  	v10 =	vmul.f32 v10, v10;
	_ =	sdelay $0x1  }
0xeb: {  	[tilespmem:$0x1C5E0] =	vst v10  }
0xec: {  	v10 =	vld.idx.msk [tilespmem:v3+s25+$0x0], $0xffff  }
0xed: {  	v11 =	vld.idx.msk [tilespmem:v11+s12+$0x0], $0xffff;
	_ =	sdelay $0x1  }
0xee: {  	v61 =	vld.idx.msk [tilespmem:v3+s26+$0x0], $0xffff  }
0xef: {  	v62 =	vld [tilespmem:$0x19E40];
	_ =	sdelay $0x1  }
0xf0: {  	v10 =	vmul.f32 v11, v10;
	_ =	sdelay $0x1  }
0xf1: {  	v10 =	vsub.f32 v10, v61  }
0xf2: {  	v11 =	vshll.u32 v62, $0x7  }
0xf3: {  	v10 =	vmul.f32 v10, v10;
	_ =	sdelay $0x1  }
0xf4: {  	[tilespmem:$0x1C5F0] =	vst v10  }
0xf5: {  	v10 =	vld.idx.msk [tilespmem:v4+s25+$0x0], $0xffff  }
0xf6: {  	v11 =	vld.idx.msk [tilespmem:v11+s12+$0x0], $0xffff;
	_ =	sdelay $0x1  }
0xf7: {  	v63 =	vld.idx.msk [tilespmem:v4+s26+$0x0], $0xffff;
	_ =	sdelay $0x2  }
0xf8: {  	v10 =	vmul.f32 v11, v10;
	_ =	sdelay $0x1  }
0xf9: {  	v10 =	vsub.f32 v10, v63;
	_ =	sdelay $0x1  }
0xfa: {  	v10 =	vmul.f32 v10, v10;
	_ =	sdelay $0x1  }
0xfb: {  	s13 =	simm.s32 $0x0;
	s14 =	simm.s32 $0x40;
	[tilespmem:$0x1C600] =	vst v10  }
.LBB2_5:
0xfc: {  	p0 =	sne.s32 s14, $0x9C00;
	v10 =	vld [tilespmem:s13+$0x19F00];
	_ =	sdelay $0x4  }
0xfd: {  	v11 =	vshrl.u32 v10, $0x1;
	v12 =	vmul.f32 $5.000000000e-01, v10  }
0xfe: {  	v11 =	vsub.s32 $0x5F3759DF, v11  }
0xff: {  	v13 =	vmul.f32 v11, v12;
	_ =	sdelay $0x1  }
0x100: {  	v13 =	vmul.f32 v11, v13;
	_ =	sdelay $0x1  }
0x101: {  	v13 =	vsub.f32 $1.500000000e+00, v13;
	_ =	sdelay $0x1  }
0x102: {  	v11 =	vmul.f32 v11, v13;
	_ =	sdelay $0x1  }
0x103: {  	v13 =	vmul.f32 v11, v12;
	_ =	sdelay $0x1  }
0x104: {  	v13 =	vmul.f32 v13, v11;
	_ =	sdelay $0x1  }
0x105: {  	v13 =	vsub.f32 $1.500000000e+00, v13;
	_ =	sdelay $0x1  }
0x106: {  	v11 =	vmul.f32 v13, v11;
	_ =	sdelay $0x1  }
0x107: {  	v12 =	vmul.f32 v11, v12;
	_ =	sdelay $0x1  }
0x108: {  	v12 =	vmul.f32 v12, v11;
	_ =	sdelay $0x1  }
0x109: {  	v12 =	vsub.f32 $1.500000000e+00, v12;
	_ =	sdelay $0x1  }
0x10a: {  	v11 =	vmul.f32 v12, v11  }
.Ltmp2:
0x10b: {  	(pc) =	sbr.rel @p0 .LBB2_5-.Ltmp2, $4  }
0x10c: {  	v11 =	vmul.f32 v11, v10  }
0x10d: {  	vm0 =	vgt.f32 v10, $0.0e+00  }
0x10e: {  	v10 =	vnsel vm0, $0x0, v11  }
0x10f: {  	[tilespmem:s13+$0x19F00] =	vst v10;
	s13 =	sshra.s32 s14, $0x2;
	s14 =	sadd.s32 $0x40, s14  }
0x110: {  	v10 =	vld [tilespmem:s13+$0x19F00];
	_ =	sdelay $0x4  }
0x111: {  	v11 =	vshrl.u32 v10, $0x1;
	v12 =	vmul.f32 $5.000000000e-01, v10  }
0x112: {  	v11 =	vsub.s32 $0x5F3759DF, v11  }
0x113: {  	v13 =	vmul.f32 v11, v12;
	_ =	sdelay $0x1  }
0x114: {  	v13 =	vmul.f32 v11, v13;
	_ =	sdelay $0x1  }
0x115: {  	v13 =	vsub.f32 $1.500000000e+00, v13;
	_ =	sdelay $0x1  }
0x116: {  	v11 =	vmul.f32 v11, v13;
	_ =	sdelay $0x1  }
0x117: {  	v13 =	vmul.f32 v11, v12;
	_ =	sdelay $0x1  }
0x118: {  	v13 =	vmul.f32 v13, v11;
	_ =	sdelay $0x1  }
0x119: {  	v13 =	vsub.f32 $1.500000000e+00, v13;
	_ =	sdelay $0x1  }
0x11a: {  	v11 =	vmul.f32 v13, v11;
	_ =	sdelay $0x1  }
0x11b: {  	v12 =	vmul.f32 v11, v12;
	_ =	sdelay $0x1  }
0x11c: {  	v12 =	vmul.f32 v12, v11;
	_ =	sdelay $0x1  }
0x11d: {  	v12 =	vsub.f32 $1.500000000e+00, v12;
	_ =	sdelay $0x1  }
0x11e: {  	v11 =	vmul.f32 v12, v11;
	_ =	sdelay $0x1  }
0x11f: {  	v11 =	vmul.f32 v11, v10  }
0x120: {  	vm0 =	vgt.f32 v10, $0.0e+00  }
0x121: {  	v10 =	vnsel vm0, $0x0, v11  }
0x122: {  	s12 =	rddreg [dreg:$0xc];
	s16 =	simm.s32 $0x19F00;
	[tilespmem:s13+$0x19F00] =	vst v10  }
0x123: {  	[hbm4b:s12+s6] =	stream.linear.scatter [tilespmem:s16], [sflag:$0x7], $0x2710, $0x38;
	[tilespmem:$0x1C680] =	vst v63  }
0x124: {  	_ =	swait.ge [sflag:s20], $0x2710  }
0x125: {  	s17 =	rddreg [dreg:$0x11]  }
0x126: {  	s18 =	rddreg [dreg:$0xd];
	s13 =	sadd.s32 $0x1, s17  }
0x127: {  	p0 =	sne.s32 s13, s18  }
.Ltmp3:
0x128: {  	_ = 	snop;
	(pc) =	sbr.rel @p0 .LBB2_1-.Ltmp3, $3  }
0x129: {  	_ =	sdelay $0x1  }
0x12a: {  	[sflag:s20] =	ssyncset.done $0x0  }
0x12b: {  	[sflag:s20] =	ssyncadd.s32 $0xFFFFD8F0  }
0x12c: {  	_ =	sfence.sel $0x180000  }
0x12d: {  	[bflag:$0x0] =	sbarrier.arrive $0xFFFF  }
0x12e: {  	_ =	strace $0x90000047  }
0x12f: {  	s0 =	stileid.u32;
	[bflag:$0x2] =	sbarrier.arrive $0xFFFF  }
0x130: {  	p0 =	sne.s32 s0, $0x0;
	s0 =	rddreg [dreg:$0x5]  }
0x131: {  	s0 =	sadd.s32 @!p0 $0x100000, s0  }
0x132: {  	[sflag:s0] =	ssyncadd.tile.s32 @!p0 $0x1;
	_ =	shalt  }
.Lfunc_end2:
_tile_overlayer_lowered:
.L_overlay_start_2:
0x133: {  	(tag) =	ssettag $0x2  }
0x134: {  	s0 =	rddreg [dreg:$0x0];
	s2 =	stileid.u32  }
0x135: {  	s1 =	rddreg [dreg:$0x1];
	p0 =	sne.s32 s2, $0x0  }
0x136: {  	s3 =	rddreg [dreg:$0x2];
	[bflag:$0x3] =	sbarrier.arrive $0xFFFF;
	s2 =	simm.s32 @!p0 $0x1C07  }
0x137: {  	[timem:s3], [sflag:s2] =	dma.local @!p0 [hbm:s0], s1  }
0x138: {  	s0 =	simm.s32 @!p0 $0x7  }
0x139: {  	_ =	swait.ge @!p0 [sflag:s0], s1  }
0x13a: {  	s1 =	ssub.s32 @!p0 $0x0, s1;
	[sflag:s0] =	ssyncset.done @!p0 $0x0  }
0x13b: {  	[sflag:s0] =	ssyncadd.s32 @!p0 s1  }
0x13c: {  	[bflag:$0x3] =	sbarrier.arrive $0xFFFF  }
0x13d: {  	_ =	shalt  }

</sc_bundles>
